<compile_context>
chip_gen: v7x
topology: tpu7x:2x2x1
jax: 0.10.2.dev20260603
libtpu: 0.0.44.dev20260713+nightly
codegen_flags: <defaults>
</compile_context>

<pallas_src>
import functools

import jax
import jax.numpy as jnp
from jax import lax
from jax.experimental import pallas as pl
from jax.experimental.pallas import tpu as pltpu
from jax.experimental.pallas import tpu_sc as plsc

_SMALL = 1e-08
_NC = 2
_NS = 16
_LANES = 16


def _build_table(node_states, Wt, b2, T, N, D, BN):

    def body(x_ref, wt_ref, b_ref, out_ref):
        mm = jnp.dot(x_ref[...], wt_ref[...], preferred_element_type=jnp.float32)
        out_ref[...] = mm + b_ref[0]

    return pl.pallas_call(
        body,
        grid=(N // BN, T),
        in_specs=[
            pl.BlockSpec((BN, D), lambda i, t: (i, 0)),
            pl.BlockSpec((D, D), lambda i, t: (0, t)),
            pl.BlockSpec((1, 1, D), lambda i, t: (t, 0, 0)),
        ],
        out_specs=pl.BlockSpec((BN, D), lambda i, t: (t * (N // BN) + i, 0)),
        out_shape=jax.ShapeDtypeStruct((T * N, D), jnp.float32),
    )(node_states, Wt, b2)


def _edge_scatter(table, pairs, N, D, E, M):
    NW = _NC * _NS
    EPW = E // NW
    CH = 80
    NCH = EPW // CH
    BCH = 25
    NB = NCH // BCH
    EPB = BCH * CH
    RPT = N // _NS
    CW = 16

    mesh = plsc.VectorSubcoreMesh(core_axis_name="c", subcore_axis_name="s")

    @functools.partial(
        pl.kernel,
        out_type=(jax.ShapeDtypeStruct((_NC, N, D), jnp.float32),
                  jax.ShapeDtypeStruct((_NC, N, CW), jnp.float32)),
        mesh=mesh,
        scratch_types=[
            pltpu.VMEM_SHARED((N, D), jnp.float32),
            pltpu.VMEM_SHARED((N, CW), jnp.float32),
            pltpu.VMEM((2 * EPB,), jnp.int32),
            pltpu.VMEM((CH,), jnp.int32),
            pltpu.VMEM((CH,), jnp.int32),
            pltpu.VMEM((CH,), jnp.int32),
            pltpu.VMEM((CH,), jnp.int32),
            pltpu.VMEM((CH, D), jnp.float32),
            pltpu.VMEM((CH, D), jnp.float32),
            pltpu.VMEM((CH, CW), jnp.float32),
            pltpu.SemaphoreType.DMA,
            pltpu.SemaphoreType.DMA,
            pltpu.SemaphoreType.DMA,
        ],
        compiler_params=pltpu.CompilerParams(use_tc_tiling_on_sc=False,
                                             needs_layout_passes=False),
    )
    def run(pairs_hbm, table_hbm, out_hbm, cnt_hbm, acc, cacc, pbuf,
            sidx0, sidx1, didx0, didx1, rows0, rows1, ones,
            sem0, sem1, semc):
        cid = lax.axis_index("c")
        sid = lax.axis_index("s")
        wid = cid * _NS + sid
        row0 = sid * RPT
        rows = (rows0, rows1)
        sidx = (sidx0, sidx1)
        didx = (didx0, didx1)
        sems = (sem0, sem1)
        toff = (wid * EPW) // M * N

        for b in range(2):
            @pl.loop(0, CH)
            def _(r):
                @pl.loop(0, D, step=_LANES)
                def _(c):
                    rows[b][r, pl.ds(c, _LANES)] = jnp.zeros((_LANES,),
                                                             jnp.float32)

        @pl.loop(0, CH)
        def _(r):
            ones[r, pl.ds(0, CW)] = jnp.zeros((CW,), jnp.float32)

        @pl.loop(0, RPT - 65, step=CH)
        def _(r):
            pltpu.sync_copy(rows0, acc.at[pl.ds(row0 + r, CH)])
        pltpu.sync_copy(rows1.at[pl.ds(0, 65)],
                        acc.at[pl.ds(row0 + RPT - 65, 65)])

        @pl.loop(0, RPT - 65, step=CH)
        def _(r):
            pltpu.sync_copy(ones, cacc.at[pl.ds(row0 + r, CH)])
        pltpu.sync_copy(ones.at[pl.ds(0, 65)],
                        cacc.at[pl.ds(row0 + RPT - 65, 65)])

        @pl.loop(0, CH)
        def _(r):
            ones[r, pl.ds(0, CW)] = jnp.ones((CW,), jnp.float32)

        plsc.subcore_barrier()

        lane = lax.iota(jnp.int32, _LANES)

        def build_idx(j, b):
            base = j * CH
            for k in range(CH // _LANES):
                fvec = 2 * (base + k * _LANES + lane)
                s = plsc.load_gather(pbuf, [fvec])
                d = plsc.load_gather(pbuf, [fvec + 1])
                sidx[b][pl.ds(k * _LANES, _LANES)] = s + toff
                didx[b][pl.ds(k * _LANES, _LANES)] = d

        def start_gather(b):
            pltpu.async_copy(table_hbm.at[sidx[b]], rows[b], sems[b])

        def wait_gather(b):
            pltpu.make_async_copy(table_hbm.at[sidx[b]], rows[b],
                                  sems[b]).wait()

        def scatter(b):
            pltpu.async_copy(ones, cacc.at[didx[b]], semc, add=True)
            pltpu.sync_copy(rows[b], acc.at[didx[b]], add=True)
            pltpu.make_async_copy(ones, cacc.at[didx[b]], semc).wait()

        @pl.loop(0, NB)
        def _(blk):
            pltpu.sync_copy(
                pairs_hbm.at[pl.ds(2 * (wid * EPW + blk * EPB), 2 * EPB)],
                pbuf)

            build_idx(0, 0)
            start_gather(0)

            @pl.loop(0, (BCH - 1) // 2)
            def _(i):
                j = 2 * i
                build_idx(j + 1, 1)
                start_gather(1)
                wait_gather(0)
                scatter(0)
                build_idx(j + 2, 0)
                start_gather(0)
                wait_gather(1)
                scatter(1)

            wait_gather(0)
            scatter(0)

        plsc.subcore_barrier()

        pltpu.sync_copy(acc.at[pl.ds(row0, RPT)],
                        out_hbm.at[cid, pl.ds(row0, RPT)])
        pltpu.sync_copy(cacc.at[pl.ds(row0, RPT)],
                        cnt_hbm.at[cid, pl.ds(row0, RPT)])

    return run(pairs, table)


def _normalize(partials, counts, N, D, CW, BN):

    def body(p_ref, c_ref, o_ref):
        s = p_ref[0] + p_ref[1]
        cnt = (c_ref[0] + c_ref[1])[:, :1]
        div = jnp.where(cnt == 0.0, 1.0, cnt) + _SMALL
        o_ref[...] = s / div

    return pl.pallas_call(
        body,
        grid=(N // BN,),
        in_specs=[
            pl.BlockSpec((_NC, BN, D), lambda i: (0, i, 0)),
            pl.BlockSpec((_NC, BN, CW), lambda i: (0, i, 0)),
        ],
        out_specs=pl.BlockSpec((BN, D), lambda i: (i, 0)),
        out_shape=jax.ShapeDtypeStruct((N, D), jnp.float32),
    )(partials, counts)


def kernel(edge_lists, node_states, pos_lists, W, b):
    del pos_lists
    N, D = node_states.shape
    T, M, _ = edge_lists.shape
    E = T * M

    pairs = edge_lists.reshape(2 * E)
    Wt = W.T
    b2 = b.reshape(T, 1, D)

    table = _build_table(node_states, Wt, b2, T, N, D, BN=1000)
    partials, counts = _edge_scatter(table, pairs, N, D, E, M)
    return _normalize(partials, counts, N, D, CW=16, BN=1000)

# --- scband reference (transcript-rebuilt; emitter-appended) ---
"""Pipeline reference for scband-messaging-layer-4964982194953 (READ-ONLY COPY).

The authoritative reference and input builder live on the scoring server;
editing this copy changes nothing except your own understanding.
"""

import jax, jax.numpy as jnp
import numpy as np

SMALL_NUMBER = 1e-08

N_NODES = 10000
DIM = 128
T_EDGE = 2  # forward_and_backward_edge_type_count = edge_type_count(2) * 1 (no backward edges)
M_EDGES = 160000  # per edge type


def setup_inputs(seed: int = 0) -> dict:
    key = jax.random.key(seed)
    k1, k2, k3, k4 = jax.random.split(key, 4)
    node_states = jax.random.normal(k1, (N_NODES, DIM), dtype=jnp.float32)
    edge_lists = jax.random.randint(k2, (T_EDGE, M_EDGES, 2), 0, N_NODES, dtype=jnp.int32)
    pos_lists = jax.random.randint(k3, (T_EDGE, M_EDGES), 0, 512, dtype=jnp.int32)
    # LinearNet transform: weight [dim*T, dim] xavier-uniform, bias [dim*T] zeros
    fan_out, fan_in = DIM * T_EDGE, DIM
    limit = np.sqrt(6.0 / (fan_in + fan_out))
    W = jax.random.uniform(k4, (fan_out, fan_in), dtype=jnp.float32, minval=-limit, maxval=limit)
    b = jnp.zeros((fan_out,), dtype=jnp.float32)
    return {"edge_lists": edge_lists, "node_states": node_states, "pos_lists": pos_lists, "W": W, "b": b}


def reference(edge_lists, node_states, pos_lists, W, b):
    N, D = node_states.shape
    T = edge_lists.shape[0]
    # self.transform(node_states).transpose(0,1).view(T, D, N)
    P = node_states @ W.T + b          # [N, T*D]
    P = P.T.reshape(T, D, N)           # [T, D, N]
    messages_by_targets = jnp.zeros_like(node_states)
    bincount = jnp.zeros((N,), dtype=jnp.int32)
    for i in range(T):
        edge_sources = edge_lists[i, :, 0]
        edge_targets = edge_lists[i, :, 1]
        # F.embedding(edge_sources, propagated_states[i].transpose(0,1))
        messages_by_source = jnp.take(P[i].T, edge_sources, axis=0)  # [M, D]
        messages_by_targets = messages_by_targets.at[edge_targets].add(messages_by_source)
        bincount = bincount + jnp.bincount(edge_targets, length=N)
    divisor = bincount.astype(jnp.float32)
    divisor = jnp.where(bincount == 0, 1.0, divisor)
    messages_by_targets = messages_by_targets / (divisor[:, None] + SMALL_NUMBER)
    return messages_by_targets

if __name__ == "__main__":
    import jax
    _d = setup_inputs()
    print(jax.jit(kernel)(*tuple(_d.values())))

</pallas_src>

<mosaic_0001>
#map = affine_map<(d0, d1) -> (0)>
#map1 = affine_map<(d0, d1) -> (0, 0)>
#map2 = affine_map<(d0, d1) -> (0, 0, 0)>
module attributes {stable_mosaic.version = 14 : i64} {
  func.func @run(%arg0: i32, %arg1: i32, %arg2: memref<640000xi32, #tpu.memory_space<hbm>>, %arg3: memref<20000x128xf32, #tpu.memory_space<hbm>>, %arg4: memref<2x10000x128xf32, #tpu.memory_space<hbm>>, %arg5: memref<2x10000x16xf32, #tpu.memory_space<hbm>>, %arg6: memref<10000x128xf32, #tpu.memory_space<vmem_shared>>, %arg7: memref<10000x16xf32, #tpu.memory_space<vmem_shared>>, %arg8: memref<4000xi32, #tpu.memory_space<vmem>>, %arg9: memref<80xi32, #tpu.memory_space<vmem>>, %arg10: memref<80xi32, #tpu.memory_space<vmem>>, %arg11: memref<80xi32, #tpu.memory_space<vmem>>, %arg12: memref<80xi32, #tpu.memory_space<vmem>>, %arg13: memref<80x128xf32, #tpu.memory_space<vmem>>, %arg14: memref<80x128xf32, #tpu.memory_space<vmem>>, %arg15: memref<80x16xf32, #tpu.memory_space<vmem>>, %arg16: memref<!tpu.dma_semaphore, #tpu.memory_space<semaphore_mem>>, %arg17: memref<!tpu.dma_semaphore, #tpu.memory_space<semaphore_mem>>, %arg18: memref<!tpu.dma_semaphore, #tpu.memory_space<semaphore_mem>>) attributes {dimension_semantics = [#tpu.dimension_semantics<core_parallel>, #tpu.dimension_semantics<subcore_parallel>], iteration_bounds = array<i64: 2, 16>, scalar_prefetch = 0 : i64, scratch_operands = 13 : i64, tpu.core_type = #tpu.core_type<sc_vector_subcore>, window_params = [{transform_indices = #map}, {transform_indices = #map1}, {transform_indices = #map2}, {transform_indices = #map2}]} {
    %mul3A = arith.constant 16 : i32
    %mul3A_0 = arith.muli %arg0, %mul3A : i32
    %add3A = arith.addi %mul3A_0, %arg1 : i32
    %mul3A_1 = arith.constant 625 : i32
    %mul3A_2 = arith.muli %arg1, %mul3A_1 : i32
    %mul3A_3 = arith.constant 10000 : i32
    %mul3A_4 = arith.muli %add3A, %mul3A_3 : i32
    %jit3A = arith.constant 160000 : i32
    %div3A = arith.divsi %mul3A_4, %jit3A : i32
    %sign3A = arith.constant 0 : i32
    %sign3A_5 = arith.cmpi sgt, %mul3A_4, %sign3A : i32
    %sign3A_6 = arith.extui %sign3A_5 : i1 to i32
    %sign3A_7 = arith.constant 0 : i32
    %sign3A_8 = arith.cmpi slt, %mul3A_4, %sign3A_7 : i32
    %sign3A_9 = arith.extui %sign3A_8 : i1 to i32
    %sign3A_10 = arith.subi %sign3A_6, %sign3A_9 : i32
    %sign3A_11 = arith.constant 0 : i32
    %sign3A_12 = arith.cmpi sgt, %jit3A, %sign3A_11 : i32
    %sign3A_13 = arith.extui %sign3A_12 : i1 to i32
    %sign3A_14 = arith.constant 0 : i32
    %sign3A_15 = arith.cmpi slt, %jit3A, %sign3A_14 : i32
    %sign3A_16 = arith.extui %sign3A_15 : i1 to i32
    %sign3A_17 = arith.subi %sign3A_13, %sign3A_16 : i32
    %ne3A = arith.cmpi ne, %sign3A_10, %sign3A_17 : i32
    %rem3A = arith.remsi %mul3A_4, %jit3A : i32
    %ne3A_18 = arith.constant 0 : i32
    %ne3A_19 = arith.cmpi ne, %rem3A, %ne3A_18 : i32
    %and3A = arith.andi %ne3A, %ne3A_19 : i1
    %sub3A = arith.constant 1 : i32
    %sub3A_20 = arith.subi %div3A, %sub3A : i32
    %select_n3A = arith.select %and3A, %sub3A_20, %div3A : i32
    %mul3A_21 = arith.constant 10000 : i32
    %mul3A_22 = arith.muli %select_n3A, %mul3A_21 : i32
    %scan3A = arith.constant 0 : i32
    %scan3A_23 = arith.constant 80 : i32
    %scan3A_24 = arith.addi %scan3A, %scan3A_23 : i32
    %scan3A_25 = arith.constant 1 : i32
    scf.for %scan3A_66 = %scan3A to %scan3A_24 step %scan3A_25  : i32 {
      %mul3A_67 = arith.constant 1 : i32
      %mul3A_68 = arith.muli %scan3A_66, %mul3A_67 : i32
      %add3A_69 = arith.constant 0 : i32
      %add3A_70 = arith.addi %add3A_69, %mul3A_68 : i32
      %scan3A_71 = arith.constant 0 : i32
      %scan3A_72 = arith.constant 8 : i32
      %scan3A_73 = arith.addi %scan3A_71, %scan3A_72 : i32
      %scan3A_74 = arith.constant 1 : i32
      scf.for %scan3A_76 = %scan3A_71 to %scan3A_73 step %scan3A_74  : i32 {
        %mul3A_77 = arith.constant 16 : i32
        %mul3A_78 = arith.muli %scan3A_76, %mul3A_77 : i32
        %add3A_79 = arith.constant 0 : i32
        %add3A_80 = arith.addi %add3A_79, %mul3A_78 : i32
        %broadcast_in_dim3A = arith.constant 0.000000e+00 : f32
        %broadcast_in_dim3A_81 = vector.broadcast %broadcast_in_dim3A : f32 to vector<16xf32>
        %swap3A = arith.index_cast %add3A_70 : i32 to index
        %swap3A_82 = arith.index_cast %add3A_80 : i32 to index
        %swap3A_83 = tpu.vector_load %arg13[%swap3A, %swap3A_82] {strides = array<i32>} : memref<80x128xf32, #tpu.memory_space<vmem>>, vector<16xf32>,
        tpu.vector_store %arg13[%swap3A, %swap3A_82], %broadcast_in_dim3A_81 {strides = array<i32>} : memref<80x128xf32, #tpu.memory_space<vmem>>, vector<16xf32>,
      }
      %scan3A_75 = arith.constant 8 : i32
    }
    %scan3A_26 = arith.constant 80 : i32
    %scan3A_27 = arith.constant 0 : i32
    %scan3A_28 = arith.constant 80 : i32
    %scan3A_29 = arith.addi %scan3A_27, %scan3A_28 : i32
    %scan3A_30 = arith.constant 1 : i32
    scf.for %scan3A_66 = %scan3A_27 to %scan3A_29 step %scan3A_30  : i32 {
      %mul3A_67 = arith.constant 1 : i32
      %mul3A_68 = arith.muli %scan3A_66, %mul3A_67 : i32
      %add3A_69 = arith.constant 0 : i32
      %add3A_70 = arith.addi %add3A_69, %mul3A_68 : i32
      %scan3A_71 = arith.constant 0 : i32
      %scan3A_72 = arith.constant 8 : i32
      %scan3A_73 = arith.addi %scan3A_71, %scan3A_72 : i32
      %scan3A_74 = arith.constant 1 : i32
      scf.for %scan3A_76 = %scan3A_71 to %scan3A_73 step %scan3A_74  : i32 {
        %mul3A_77 = arith.constant 16 : i32
        %mul3A_78 = arith.muli %scan3A_76, %mul3A_77 : i32
        %add3A_79 = arith.constant 0 : i32
        %add3A_80 = arith.addi %add3A_79, %mul3A_78 : i32
        %broadcast_in_dim3A = arith.constant 0.000000e+00 : f32
        %broadcast_in_dim3A_81 = vector.broadcast %broadcast_in_dim3A : f32 to vector<16xf32>
        %swap3A = arith.index_cast %add3A_70 : i32 to index
        %swap3A_82 = arith.index_cast %add3A_80 : i32 to index
        %swap3A_83 = tpu.vector_load %arg14[%swap3A, %swap3A_82] {strides = array<i32>} : memref<80x128xf32, #tpu.memory_space<vmem>>, vector<16xf32>,
        tpu.vector_store %arg14[%swap3A, %swap3A_82], %broadcast_in_dim3A_81 {strides = array<i32>} : memref<80x128xf32, #tpu.memory_space<vmem>>, vector<16xf32>,
      }
      %scan3A_75 = arith.constant 8 : i32
    }
    %scan3A_31 = arith.constant 80 : i32
    %scan3A_32 = arith.constant 0 : i32
    %scan3A_33 = arith.constant 80 : i32
    %scan3A_34 = arith.addi %scan3A_32, %scan3A_33 : i32
    %scan3A_35 = arith.constant 1 : i32
    scf.for %scan3A_66 = %scan3A_32 to %scan3A_34 step %scan3A_35  : i32 {
      %mul3A_67 = arith.constant 1 : i32
      %mul3A_68 = arith.muli %scan3A_66, %mul3A_67 : i32
      %add3A_69 = arith.constant 0 : i32
      %add3A_70 = arith.addi %add3A_69, %mul3A_68 : i32
      %broadcast_in_dim3A = arith.constant 0.000000e+00 : f32
      %broadcast_in_dim3A_71 = vector.broadcast %broadcast_in_dim3A : f32 to vector<16xf32>
      %swap3A = arith.index_cast %add3A_70 : i32 to index
      %swap3A_72 = arith.constant 0 : index
      %swap3A_73 = tpu.vector_load %arg15[%swap3A, %swap3A_72] {strides = array<i32>} : memref<80x16xf32, #tpu.memory_space<vmem>>, vector<16xf32>,
      tpu.vector_store %arg15[%swap3A, %swap3A_72], %broadcast_in_dim3A_71 {strides = array<i32>} : memref<80x16xf32, #tpu.memory_space<vmem>>, vector<16xf32>,
    }
    %scan3A_36 = arith.constant 80 : i32
    %scan3A_37 = arith.constant 0 : i32
    %scan3A_38 = arith.constant 7 : i32
    %scan3A_39 = arith.addi %scan3A_37, %scan3A_38 : i32
    %scan3A_40 = arith.constant 1 : i32
    scf.for %scan3A_66 = %scan3A_37 to %scan3A_39 step %scan3A_40  : i32 {
      %mul3A_67 = arith.constant 80 : i32
      %mul3A_68 = arith.muli %scan3A_66, %mul3A_67 : i32
      %add3A_69 = arith.constant 0 : i32
      %add3A_70 = arith.addi %add3A_69, %mul3A_68 : i32
      %add3A_71 = arith.addi %mul3A_2, %add3A_70 : i32
      "tpu.region"() ({
        %run_scoped3A = tpu.sem_alloc : memref<!tpu.dma_semaphore, #tpu.memory_space<semaphore_mem>>
        %dma_start3A = arith.constant 0 : i32
        %dma_start3A_72 = tpu.memref_slice %arg6[%add3A_71, %dma_start3A] : memref<10000x128xf32, #tpu.memory_space<vmem_shared>> -> memref<80x128xf32, #tpu.memory_space<vmem_shared>>
        %dma_start3A_73 = arith.constant 0 : i32
        %dma_start3A_74 = tpu.memref_slice %arg6[%add3A_71, %dma_start3A_73] : memref<10000x128xf32, #tpu.memory_space<vmem_shared>> -> memref<80x128xf32, #tpu.memory_space<vmem_shared>>
        tpu.enqueue_dma source(%arg13 : memref<80x128xf32, #tpu.memory_space<vmem>>) target(%dma_start3A_74 : memref<80x128xf32, #tpu.memory_space<vmem_shared>>) target_semaphore(%run_scoped3A : memref<!tpu.dma_semaphore, #tpu.memory_space<semaphore_mem>>)
        %dma_wait3A = arith.constant 0 : i32
        %dma_wait3A_75 = tpu.memref_slice %arg6[%add3A_71, %dma_wait3A] : memref<10000x128xf32, #tpu.memory_space<vmem_shared>> -> memref<80x128xf32, #tpu.memory_space<vmem_shared>>
        %dma_wait3A_76 = arith.constant 0 : i32
        %dma_wait3A_77 = tpu.memref_slice %arg6[%add3A_71, %dma_wait3A_76] : memref<10000x128xf32, #tpu.memory_space<vmem_shared>> -> memref<80x128xf32, #tpu.memory_space<vmem_shared>>
        tpu.wait_dma2 semaphore(%run_scoped3A : memref<!tpu.dma_semaphore, #tpu.memory_space<semaphore_mem>>) src(%arg13 : memref<80x128xf32, #tpu.memory_space<vmem>>) dst(%dma_wait3A_77 : memref<80x128xf32, #tpu.memory_space<vmem_shared>>)
        tpu.yield
      }) : () -> ()
    }
    %scan3A_41 = arith.constant 7 : i32
    %add3A_42 = arith.constant 625 : i32
    %add3A_43 = arith.addi %mul3A_2, %add3A_42 : i32
    %sub3A_44 = arith.constant 65 : i32
    %sub3A_45 = arith.subi %add3A_43, %sub3A_44 : i32
    "tpu.region"() ({
      %run_scoped3A = tpu.sem_alloc : memref<!tpu.dma_semaphore, #tpu.memory_space<semaphore_mem>>
      %dma_start3A = arith.constant 0 : i32
      %dma_start3A_66 = arith.constant 0 : i32
      %dma_start3A_67 = tpu.memref_slice %arg14[%dma_start3A, %dma_start3A_66] : memref<80x128xf32, #tpu.memory_space<vmem>> -> memref<65x128xf32, #tpu.memory_space<vmem>>
      %dma_start3A_68 = arith.constant 0 : i32
      %dma_start3A_69 = tpu.memref_slice %arg6[%sub3A_45, %dma_start3A_68] : memref<10000x128xf32, #tpu.memory_space<vmem_shared>> -> memref<65x128xf32, #tpu.memory_space<vmem_shared>>
      %dma_start3A_70 = arith.constant 0 : i32
      %dma_start3A_71 = tpu.memref_slice %arg6[%sub3A_45, %dma_start3A_70] : memref<10000x128xf32, #tpu.memory_space<vmem_shared>> -> memref<65x128xf32, #tpu.memory_space<vmem_shared>>
      %dma_start3A_72 = arith.constant 0 : i32
      %dma_start3A_73 = arith.constant 0 : i32
      %dma_start3A_74 = tpu.memref_slice %arg14[%dma_start3A_72, %dma_start3A_73] : memref<80x128xf32, #tpu.memory_space<vmem>> -> memref<65x128xf32, #tpu.memory_space<vmem>>
      tpu.enqueue_dma source(%dma_start3A_74 : memref<65x128xf32, #tpu.memory_space<vmem>>) target(%dma_start3A_71 : memref<65x128xf32, #tpu.memory_space<vmem_shared>>) target_semaphore(%run_scoped3A : memref<!tpu.dma_semaphore, #tpu.memory_space<semaphore_mem>>)
      %dma_wait3A = arith.constant 0 : i32
      %dma_wait3A_75 = arith.constant 0 : i32
      %dma_wait3A_76 = tpu.memref_slice %arg14[%dma_wait3A, %dma_wait3A_75] : memref<80x128xf32, #tpu.memory_space<vmem>> -> memref<65x128xf32, #tpu.memory_space<vmem>>
      %dma_wait3A_77 = arith.constant 0 : i32
      %dma_wait3A_78 = tpu.memref_slice %arg6[%sub3A_45, %dma_wait3A_77] : memref<10000x128xf32, #tpu.memory_space<vmem_shared>> -> memref<65x128xf32, #tpu.memory_space<vmem_shared>>
      %dma_wait3A_79 = arith.constant 0 : i32
      %dma_wait3A_80 = tpu.memref_slice %arg6[%sub3A_45, %dma_wait3A_79] : memref<10000x128xf32, #tpu.memory_space<vmem_shared>> -> memref<65x128xf32, #tpu.memory_space<vmem_shared>>
      %dma_wait3A_81 = arith.constant 0 : i32
      %dma_wait3A_82 = arith.constant 0 : i32
      %dma_wait3A_83 = tpu.memref_slice %arg14[%dma_wait3A_81, %dma_wait3A_82] : memref<80x128xf32, #tpu.memory_space<vmem>> -> memref<65x128xf32, #tpu.memory_space<vmem>>
      tpu.wait_dma2 semaphore(%run_scoped3A : memref<!tpu.dma_semaphore, #tpu.memory_space<semaphore_mem>>) src(%dma_wait3A_83 : memref<65x128xf32, #tpu.memory_space<vmem>>) dst(%dma_wait3A_80 : memref<65x128xf32, #tpu.memory_space<vmem_shared>>)
      tpu.yield
    }) : () -> ()
    %scan3A_46 = arith.constant 0 : i32
    %scan3A_47 = arith.constant 7 : i32
    %scan3A_48 = arith.addi %scan3A_46, %scan3A_47 : i32
    %scan3A_49 = arith.constant 1 : i32
    scf.for %scan3A_66 = %scan3A_46 to %scan3A_48 step %scan3A_49  : i32 {
      %mul3A_67 = arith.constant 80 : i32
      %mul3A_68 = arith.muli %scan3A_66, %mul3A_67 : i32
      %add3A_69 = arith.constant 0 : i32
      %add3A_70 = arith.addi %add3A_69, %mul3A_68 : i32
      %add3A_71 = arith.addi %mul3A_2, %add3A_70 : i32
      "tpu.region"() ({
        %run_scoped3A = tpu.sem_alloc : memref<!tpu.dma_semaphore, #tpu.memory_space<semaphore_mem>>
        %dma_start3A = arith.constant 0 : i32
        %dma_start3A_72 = tpu.memref_slice %arg7[%add3A_71, %dma_start3A] : memref<10000x16xf32, #tpu.memory_space<vmem_shared>> -> memref<80x16xf32, #tpu.memory_space<vmem_shared>>
        %dma_start3A_73 = arith.constant 0 : i32
        %dma_start3A_74 = tpu.memref_slice %arg7[%add3A_71, %dma_start3A_73] : memref<10000x16xf32, #tpu.memory_space<vmem_shared>> -> memref<80x16xf32, #tpu.memory_space<vmem_shared>>
        tpu.enqueue_dma source(%arg15 : memref<80x16xf32, #tpu.memory_space<vmem>>) target(%dma_start3A_74 : memref<80x16xf32, #tpu.memory_space<vmem_shared>>) target_semaphore(%run_scoped3A : memref<!tpu.dma_semaphore, #tpu.memory_space<semaphore_mem>>)
        %dma_wait3A = arith.constant 0 : i32
        %dma_wait3A_75 = tpu.memref_slice %arg7[%add3A_71, %dma_wait3A] : memref<10000x16xf32, #tpu.memory_space<vmem_shared>> -> memref<80x16xf32, #tpu.memory_space<vmem_shared>>
        %dma_wait3A_76 = arith.constant 0 : i32
        %dma_wait3A_77 = tpu.memref_slice %arg7[%add3A_71, %dma_wait3A_76] : memref<10000x16xf32, #tpu.memory_space<vmem_shared>> -> memref<80x16xf32, #tpu.memory_space<vmem_shared>>
        tpu.wait_dma2 semaphore(%run_scoped3A : memref<!tpu.dma_semaphore, #tpu.memory_space<semaphore_mem>>) src(%arg15 : memref<80x16xf32, #tpu.memory_space<vmem>>) dst(%dma_wait3A_77 : memref<80x16xf32, #tpu.memory_space<vmem_shared>>)
        tpu.yield
      }) : () -> ()
    }
    %scan3A_50 = arith.constant 7 : i32
    %add3A_51 = arith.constant 625 : i32
    %add3A_52 = arith.addi %mul3A_2, %add3A_51 : i32
    %sub3A_53 = arith.constant 65 : i32
    %sub3A_54 = arith.subi %add3A_52, %sub3A_53 : i32
    "tpu.region"() ({
      %run_scoped3A = tpu.sem_alloc : memref<!tpu.dma_semaphore, #tpu.memory_space<semaphore_mem>>
      %dma_start3A = arith.constant 0 : i32
      %dma_start3A_66 = arith.constant 0 : i32
      %dma_start3A_67 = tpu.memref_slice %arg15[%dma_start3A, %dma_start3A_66] : memref<80x16xf32, #tpu.memory_space<vmem>> -> memref<65x16xf32, #tpu.memory_space<vmem>>
      %dma_start3A_68 = arith.constant 0 : i32
      %dma_start3A_69 = tpu.memref_slice %arg7[%sub3A_54, %dma_start3A_68] : memref<10000x16xf32, #tpu.memory_space<vmem_shared>> -> memref<65x16xf32, #tpu.memory_space<vmem_shared>>
      %dma_start3A_70 = arith.constant 0 : i32
      %dma_start3A_71 = tpu.memref_slice %arg7[%sub3A_54, %dma_start3A_70] : memref<10000x16xf32, #tpu.memory_space<vmem_shared>> -> memref<65x16xf32, #tpu.memory_space<vmem_shared>>
      %dma_start3A_72 = arith.constant 0 : i32
      %dma_start3A_73 = arith.constant 0 : i32
      %dma_start3A_74 = tpu.memref_slice %arg15[%dma_start3A_72, %dma_start3A_73] : memref<80x16xf32, #tpu.memory_space<vmem>> -> memref<65x16xf32, #tpu.memory_space<vmem>>
      tpu.enqueue_dma source(%dma_start3A_74 : memref<65x16xf32, #tpu.memory_space<vmem>>) target(%dma_start3A_71 : memref<65x16xf32, #tpu.memory_space<vmem_shared>>) target_semaphore(%run_scoped3A : memref<!tpu.dma_semaphore, #tpu.memory_space<semaphore_mem>>)
      %dma_wait3A = arith.constant 0 : i32
      %dma_wait3A_75 = arith.constant 0 : i32
      %dma_wait3A_76 = tpu.memref_slice %arg15[%dma_wait3A, %dma_wait3A_75] : memref<80x16xf32, #tpu.memory_space<vmem>> -> memref<65x16xf32, #tpu.memory_space<vmem>>
      %dma_wait3A_77 = arith.constant 0 : i32
      %dma_wait3A_78 = tpu.memref_slice %arg7[%sub3A_54, %dma_wait3A_77] : memref<10000x16xf32, #tpu.memory_space<vmem_shared>> -> memref<65x16xf32, #tpu.memory_space<vmem_shared>>
      %dma_wait3A_79 = arith.constant 0 : i32
      %dma_wait3A_80 = tpu.memref_slice %arg7[%sub3A_54, %dma_wait3A_79] : memref<10000x16xf32, #tpu.memory_space<vmem_shared>> -> memref<65x16xf32, #tpu.memory_space<vmem_shared>>
      %dma_wait3A_81 = arith.constant 0 : i32
      %dma_wait3A_82 = arith.constant 0 : i32
      %dma_wait3A_83 = tpu.memref_slice %arg15[%dma_wait3A_81, %dma_wait3A_82] : memref<80x16xf32, #tpu.memory_space<vmem>> -> memref<65x16xf32, #tpu.memory_space<vmem>>
      tpu.wait_dma2 semaphore(%run_scoped3A : memref<!tpu.dma_semaphore, #tpu.memory_space<semaphore_mem>>) src(%dma_wait3A_83 : memref<65x16xf32, #tpu.memory_space<vmem>>) dst(%dma_wait3A_80 : memref<65x16xf32, #tpu.memory_space<vmem_shared>>)
      tpu.yield
    }) : () -> ()
    %scan3A_55 = arith.constant 0 : i32
    %scan3A_56 = arith.constant 80 : i32
    %scan3A_57 = arith.addi %scan3A_55, %scan3A_56 : i32
    %scan3A_58 = arith.constant 1 : i32
    scf.for %scan3A_66 = %scan3A_55 to %scan3A_57 step %scan3A_58  : i32 {
      %mul3A_67 = arith.constant 1 : i32
      %mul3A_68 = arith.muli %scan3A_66, %mul3A_67 : i32
      %add3A_69 = arith.constant 0 : i32
      %add3A_70 = arith.addi %add3A_69, %mul3A_68 : i32
      %broadcast_in_dim3A = arith.constant 1.000000e+00 : f32
      %broadcast_in_dim3A_71 = vector.broadcast %broadcast_in_dim3A : f32 to vector<16xf32>
      %swap3A = arith.index_cast %add3A_70 : i32 to index
      %swap3A_72 = arith.constant 0 : index
      %swap3A_73 = tpu.vector_load %arg15[%swap3A, %swap3A_72] {strides = array<i32>} : memref<80x16xf32, #tpu.memory_space<vmem>>, vector<16xf32>,
      tpu.vector_store %arg15[%swap3A, %swap3A_72], %broadcast_in_dim3A_71 {strides = array<i32>} : memref<80x16xf32, #tpu.memory_space<vmem>>, vector<16xf32>,
    }
    %scan3A_59 = arith.constant 80 : i32
    %barrier3A = arith.constant 0 : index
    tpu.barrier barrier_id(%barrier3A)
    %iota3A = tpu.iota {dimensions = array<i32: 0>} : vector<16xi32>
    %scan3A_60 = arith.constant 0 : i32
    %scan3A_61 = arith.constant 5 : i32
    %scan3A_62 = arith.addi %scan3A_60, %scan3A_61 : i32
    %scan3A_63 = arith.constant 1 : i32
    scf.for %scan3A_66 = %scan3A_60 to %scan3A_62 step %scan3A_63  : i32 {
      %mul3A_67 = arith.constant 1 : i32
      %mul3A_68 = arith.muli %scan3A_66, %mul3A_67 : i32
      %add3A_69 = arith.constant 0 : i32
      %add3A_70 = arith.addi %add3A_69, %mul3A_68 : i32
      %mul3A_71 = arith.constant 10000 : i32
      %mul3A_72 = arith.muli %add3A, %mul3A_71 : i32
      %mul3A_73 = arith.constant 2000 : i32
      %mul3A_74 = arith.muli %add3A_70, %mul3A_73 : i32
      %add3A_75 = arith.addi %mul3A_72, %mul3A_74 : i32
      %mul3A_76 = arith.constant 2 : i32
      %mul3A_77 = arith.muli %mul3A_76, %add3A_75 : i32
      "tpu.region"() ({
        %run_scoped3A = tpu.sem_alloc : memref<!tpu.dma_semaphore, #tpu.memory_space<semaphore_mem>>
        %dma_start3A_176 = tpu.memref_slice %arg2[%mul3A_77] : memref<640000xi32, #tpu.memory_space<hbm>> -> memref<4000xi32, #tpu.memory_space<hbm>>
        %dma_start3A_177 = tpu.memref_slice %arg2[%mul3A_77] : memref<640000xi32, #tpu.memory_space<hbm>> -> memref<4000xi32, #tpu.memory_space<hbm>>
        tpu.enqueue_dma source(%dma_start3A_177 : memref<4000xi32, #tpu.memory_space<hbm>>) target(%arg8 : memref<4000xi32, #tpu.memory_space<vmem>>) target_semaphore(%run_scoped3A : memref<!tpu.dma_semaphore, #tpu.memory_space<semaphore_mem>>)
        %dma_wait3A_178 = tpu.memref_slice %arg2[%mul3A_77] : memref<640000xi32, #tpu.memory_space<hbm>> -> memref<4000xi32, #tpu.memory_space<hbm>>
        %dma_wait3A_179 = tpu.memref_slice %arg2[%mul3A_77] : memref<640000xi32, #tpu.memory_space<hbm>> -> memref<4000xi32, #tpu.memory_space<hbm>>
        tpu.wait_dma2 semaphore(%run_scoped3A : memref<!tpu.dma_semaphore, #tpu.memory_space<semaphore_mem>>) src(%dma_wait3A_179 : memref<4000xi32, #tpu.memory_space<hbm>>) dst(%arg8 : memref<4000xi32, #tpu.memory_space<vmem>>)
        tpu.yield
      }) : () -> ()
      %add3A_78 = arith.constant 0 : i32
      %add3A_79 = vector.broadcast %add3A_78 : i32 to vector<16xi32>
      %add3A_80 = arith.addi %add3A_79, %iota3A : vector<16xi32>
      %mul3A_81 = arith.constant 2 : i32
      %mul3A_82 = vector.broadcast %mul3A_81 : i32 to vector<16xi32>
      %mul3A_83 = arith.muli %mul3A_82, %add3A_80 : vector<16xi32>
      %gather3A = tpu.vector_load_idx %arg8[%mul3A_83] : memref<4000xi32, #tpu.memory_space<vmem>>[vector<16xi32>], vector<16xi32>,
      %add3A_84 = arith.constant 1 : i32
      %add3A_85 = vector.broadcast %add3A_84 : i32 to vector<16xi32>
      %add3A_86 = arith.addi %mul3A_83, %add3A_85 : vector<16xi32>
      %gather3A_87 = tpu.vector_load_idx %arg8[%add3A_86] : memref<4000xi32, #tpu.memory_space<vmem>>[vector<16xi32>], vector<16xi32>,
      %add3A_88 = vector.broadcast %mul3A_22 : i32 to vector<16xi32>
      %add3A_89 = arith.addi %gather3A, %add3A_88 : vector<16xi32>
      %swap3A = arith.constant 0 : index
      %swap3A_90 = tpu.vector_load %arg9[%swap3A] {strides = array<i32>} : memref<80xi32, #tpu.memory_space<vmem>>, vector<16xi32>,
      tpu.vector_store %arg9[%swap3A], %add3A_89 {strides = array<i32>} : memref<80xi32, #tpu.memory_space<vmem>>, vector<16xi32>,
      %swap3A_91 = arith.constant 0 : index
      %swap3A_92 = tpu.vector_load %arg11[%swap3A_91] {strides = array<i32>} : memref<80xi32, #tpu.memory_space<vmem>>, vector<16xi32>,
      tpu.vector_store %arg11[%swap3A_91], %gather3A_87 {strides = array<i32>} : memref<80xi32, #tpu.memory_space<vmem>>, vector<16xi32>,
      %add3A_93 = arith.constant 16 : i32
      %add3A_94 = vector.broadcast %add3A_93 : i32 to vector<16xi32>
      %add3A_95 = arith.addi %add3A_94, %iota3A : vector<16xi32>
      %mul3A_96 = arith.constant 2 : i32
      %mul3A_97 = vector.broadcast %mul3A_96 : i32 to vector<16xi32>
      %mul3A_98 = arith.muli %mul3A_97, %add3A_95 : vector<16xi32>
      %gather3A_99 = tpu.vector_load_idx %arg8[%mul3A_98] : memref<4000xi32, #tpu.memory_space<vmem>>[vector<16xi32>], vector<16xi32>,
      %add3A_100 = arith.constant 1 : i32
      %add3A_101 = vector.broadcast %add3A_100 : i32 to vector<16xi32>
      %add3A_102 = arith.addi %mul3A_98, %add3A_101 : vector<16xi32>
      %gather3A_103 = tpu.vector_load_idx %arg8[%add3A_102] : memref<4000xi32, #tpu.memory_space<vmem>>[vector<16xi32>], vector<16xi32>,
      %add3A_104 = vector.broadcast %mul3A_22 : i32 to vector<16xi32>
      %add3A_105 = arith.addi %gather3A_99, %add3A_104 : vector<16xi32>
      %swap3A_106 = arith.constant 16 : index
      %swap3A_107 = tpu.vector_load %arg9[%swap3A_106] {strides = array<i32>} : memref<80xi32, #tpu.memory_space<vmem>>, vector<16xi32>,
      tpu.vector_store %arg9[%swap3A_106], %add3A_105 {strides = array<i32>} : memref<80xi32, #tpu.memory_space<vmem>>, vector<16xi32>,
      %swap3A_108 = arith.constant 16 : index
      %swap3A_109 = tpu.vector_load %arg11[%swap3A_108] {strides = array<i32>} : memref<80xi32, #tpu.memory_space<vmem>>, vector<16xi32>,
      tpu.vector_store %arg11[%swap3A_108], %gather3A_103 {strides = array<i32>} : memref<80xi32, #tpu.memory_space<vmem>>, vector<16xi32>,
      %add3A_110 = arith.constant 32 : i32
      %add3A_111 = vector.broadcast %add3A_110 : i32 to vector<16xi32>
      %add3A_112 = arith.addi %add3A_111, %iota3A : vector<16xi32>
      %mul3A_113 = arith.constant 2 : i32
      %mul3A_114 = vector.broadcast %mul3A_113 : i32 to vector<16xi32>
      %mul3A_115 = arith.muli %mul3A_114, %add3A_112 : vector<16xi32>
      %gather3A_116 = tpu.vector_load_idx %arg8[%mul3A_115] : memref<4000xi32, #tpu.memory_space<vmem>>[vector<16xi32>], vector<16xi32>,
      %add3A_117 = arith.constant 1 : i32
      %add3A_118 = vector.broadcast %add3A_117 : i32 to vector<16xi32>
      %add3A_119 = arith.addi %mul3A_115, %add3A_118 : vector<16xi32>
      %gather3A_120 = tpu.vector_load_idx %arg8[%add3A_119] : memref<4000xi32, #tpu.memory_space<vmem>>[vector<16xi32>], vector<16xi32>,
      %add3A_121 = vector.broadcast %mul3A_22 : i32 to vector<16xi32>
      %add3A_122 = arith.addi %gather3A_116, %add3A_121 : vector<16xi32>
      %swap3A_123 = arith.constant 32 : index
      %swap3A_124 = tpu.vector_load %arg9[%swap3A_123] {strides = array<i32>} : memref<80xi32, #tpu.memory_space<vmem>>, vector<16xi32>,
      tpu.vector_store %arg9[%swap3A_123], %add3A_122 {strides = array<i32>} : memref<80xi32, #tpu.memory_space<vmem>>, vector<16xi32>,
      %swap3A_125 = arith.constant 32 : index
      %swap3A_126 = tpu.vector_load %arg11[%swap3A_125] {strides = array<i32>} : memref<80xi32, #tpu.memory_space<vmem>>, vector<16xi32>,
      tpu.vector_store %arg11[%swap3A_125], %gather3A_120 {strides = array<i32>} : memref<80xi32, #tpu.memory_space<vmem>>, vector<16xi32>,
      %add3A_127 = arith.constant 48 : i32
      %add3A_128 = vector.broadcast %add3A_127 : i32 to vector<16xi32>
      %add3A_129 = arith.addi %add3A_128, %iota3A : vector<16xi32>
      %mul3A_130 = arith.constant 2 : i32
      %mul3A_131 = vector.broadcast %mul3A_130 : i32 to vector<16xi32>
      %mul3A_132 = arith.muli %mul3A_131, %add3A_129 : vector<16xi32>
      %gather3A_133 = tpu.vector_load_idx %arg8[%mul3A_132] : memref<4000xi32, #tpu.memory_space<vmem>>[vector<16xi32>], vector<16xi32>,
      %add3A_134 = arith.constant 1 : i32
      %add3A_135 = vector.broadcast %add3A_134 : i32 to vector<16xi32>
      %add3A_136 = arith.addi %mul3A_132, %add3A_135 : vector<16xi32>
      %gather3A_137 = tpu.vector_load_idx %arg8[%add3A_136] : memref<4000xi32, #tpu.memory_space<vmem>>[vector<16xi32>], vector<16xi32>,
      %add3A_138 = vector.broadcast %mul3A_22 : i32 to vector<16xi32>
      %add3A_139 = arith.addi %gather3A_133, %add3A_138 : vector<16xi32>
      %swap3A_140 = arith.constant 48 : index
      %swap3A_141 = tpu.vector_load %arg9[%swap3A_140] {strides = array<i32>} : memref<80xi32, #tpu.memory_space<vmem>>, vector<16xi32>,
      tpu.vector_store %arg9[%swap3A_140], %add3A_139 {strides = array<i32>} : memref<80xi32, #tpu.memory_space<vmem>>, vector<16xi32>,
      %swap3A_142 = arith.constant 48 : index
      %swap3A_143 = tpu.vector_load %arg11[%swap3A_142] {strides = array<i32>} : memref<80xi32, #tpu.memory_space<vmem>>, vector<16xi32>,
      tpu.vector_store %arg11[%swap3A_142], %gather3A_137 {strides = array<i32>} : memref<80xi32, #tpu.memory_space<vmem>>, vector<16xi32>,
      %add3A_144 = arith.constant 64 : i32
      %add3A_145 = vector.broadcast %add3A_144 : i32 to vector<16xi32>
      %add3A_146 = arith.addi %add3A_145, %iota3A : vector<16xi32>
      %mul3A_147 = arith.constant 2 : i32
      %mul3A_148 = vector.broadcast %mul3A_147 : i32 to vector<16xi32>
      %mul3A_149 = arith.muli %mul3A_148, %add3A_146 : vector<16xi32>
      %gather3A_150 = tpu.vector_load_idx %arg8[%mul3A_149] : memref<4000xi32, #tpu.memory_space<vmem>>[vector<16xi32>], vector<16xi32>,
      %add3A_151 = arith.constant 1 : i32
      %add3A_152 = vector.broadcast %add3A_151 : i32 to vector<16xi32>
      %add3A_153 = arith.addi %mul3A_149, %add3A_152 : vector<16xi32>
      %gather3A_154 = tpu.vector_load_idx %arg8[%add3A_153] : memref<4000xi32, #tpu.memory_space<vmem>>[vector<16xi32>], vector<16xi32>,
      %add3A_155 = vector.broadcast %mul3A_22 : i32 to vector<16xi32>
      %add3A_156 = arith.addi %gather3A_150, %add3A_155 : vector<16xi32>
      %swap3A_157 = arith.constant 64 : index
      %swap3A_158 = tpu.vector_load %arg9[%swap3A_157] {strides = array<i32>} : memref<80xi32, #tpu.memory_space<vmem>>, vector<16xi32>,
      tpu.vector_store %arg9[%swap3A_157], %add3A_156 {strides = array<i32>} : memref<80xi32, #tpu.memory_space<vmem>>, vector<16xi32>,
      %swap3A_159 = arith.constant 64 : index
      %swap3A_160 = tpu.vector_load %arg11[%swap3A_159] {strides = array<i32>} : memref<80xi32, #tpu.memory_space<vmem>>, vector<16xi32>,
      tpu.vector_store %arg11[%swap3A_159], %gather3A_154 {strides = array<i32>} : memref<80xi32, #tpu.memory_space<vmem>>, vector<16xi32>,
      %dma_start3A = arith.constant 0 : i32
      %dma_start3A_161 = arith.constant 0 : i32
      %dma_start3A_162 = tpu.memref_slice %arg3[%dma_start3A, %dma_start3A_161] : memref<20000x128xf32, #tpu.memory_space<hbm>> -> memref<20000x128xf32, #tpu.memory_space<hbm>>
      tpu.enqueue_indirect_dma source(%dma_start3A_162 : memref<20000x128xf32, #tpu.memory_space<hbm>>) target(%arg13 : memref<80x128xf32, #tpu.memory_space<vmem>>) offsets(%arg9 : memref<80xi32, #tpu.memory_space<vmem>>) semaphore(%arg16 : memref<!tpu.dma_semaphore, #tpu.memory_space<semaphore_mem>>)
      %scan3A_163 = arith.constant 0 : i32
      %scan3A_164 = arith.constant 12 : i32
      %scan3A_165 = arith.addi %scan3A_163, %scan3A_164 : i32
      %scan3A_166 = arith.constant 1 : i32
      scf.for %scan3A_176 = %scan3A_163 to %scan3A_165 step %scan3A_166  : i32 {
        %mul3A_177 = arith.constant 1 : i32
        %mul3A_178 = arith.muli %scan3A_176, %mul3A_177 : i32
        %add3A_179 = arith.constant 0 : i32
        %add3A_180 = arith.addi %add3A_179, %mul3A_178 : i32
        %mul3A_181 = arith.constant 2 : i32
        %mul3A_182 = arith.muli %mul3A_181, %add3A_180 : i32
        %add3A_183 = arith.constant 1 : i32
        %add3A_184 = arith.addi %mul3A_182, %add3A_183 : i32
        %mul3A_185 = arith.constant 80 : i32
        %mul3A_186 = arith.muli %add3A_184, %mul3A_185 : i32
        %add3A_187 = arith.constant 0 : i32
        %add3A_188 = arith.addi %mul3A_186, %add3A_187 : i32
        %add3A_189 = vector.broadcast %add3A_188 : i32 to vector<16xi32>
        %add3A_190 = arith.addi %add3A_189, %iota3A : vector<16xi32>
        %mul3A_191 = arith.constant 2 : i32
        %mul3A_192 = vector.broadcast %mul3A_191 : i32 to vector<16xi32>
        %mul3A_193 = arith.muli %mul3A_192, %add3A_190 : vector<16xi32>
        %gather3A_194 = tpu.vector_load_idx %arg8[%mul3A_193] : memref<4000xi32, #tpu.memory_space<vmem>>[vector<16xi32>], vector<16xi32>,
        %add3A_195 = arith.constant 1 : i32
        %add3A_196 = vector.broadcast %add3A_195 : i32 to vector<16xi32>
        %add3A_197 = arith.addi %mul3A_193, %add3A_196 : vector<16xi32>
        %gather3A_198 = tpu.vector_load_idx %arg8[%add3A_197] : memref<4000xi32, #tpu.memory_space<vmem>>[vector<16xi32>], vector<16xi32>,
        %add3A_199 = vector.broadcast %mul3A_22 : i32 to vector<16xi32>
        %add3A_200 = arith.addi %gather3A_194, %add3A_199 : vector<16xi32>
        %swap3A_201 = arith.constant 0 : index
        %swap3A_202 = tpu.vector_load %arg10[%swap3A_201] {strides = array<i32>} : memref<80xi32, #tpu.memory_space<vmem>>, vector<16xi32>,
        tpu.vector_store %arg10[%swap3A_201], %add3A_200 {strides = array<i32>} : memref<80xi32, #tpu.memory_space<vmem>>, vector<16xi32>,
        %swap3A_203 = arith.constant 0 : index
        %swap3A_204 = tpu.vector_load %arg12[%swap3A_203] {strides = array<i32>} : memref<80xi32, #tpu.memory_space<vmem>>, vector<16xi32>,
        tpu.vector_store %arg12[%swap3A_203], %gather3A_198 {strides = array<i32>} : memref<80xi32, #tpu.memory_space<vmem>>, vector<16xi32>,
        %add3A_205 = arith.constant 16 : i32
        %add3A_206 = arith.addi %mul3A_186, %add3A_205 : i32
        %add3A_207 = vector.broadcast %add3A_206 : i32 to vector<16xi32>
        %add3A_208 = arith.addi %add3A_207, %iota3A : vector<16xi32>
        %mul3A_209 = arith.constant 2 : i32
        %mul3A_210 = vector.broadcast %mul3A_209 : i32 to vector<16xi32>
        %mul3A_211 = arith.muli %mul3A_210, %add3A_208 : vector<16xi32>
        %gather3A_212 = tpu.vector_load_idx %arg8[%mul3A_211] : memref<4000xi32, #tpu.memory_space<vmem>>[vector<16xi32>], vector<16xi32>,
        %add3A_213 = arith.constant 1 : i32
        %add3A_214 = vector.broadcast %add3A_213 : i32 to vector<16xi32>
        %add3A_215 = arith.addi %mul3A_211, %add3A_214 : vector<16xi32>
        %gather3A_216 = tpu.vector_load_idx %arg8[%add3A_215] : memref<4000xi32, #tpu.memory_space<vmem>>[vector<16xi32>], vector<16xi32>,
        %add3A_217 = vector.broadcast %mul3A_22 : i32 to vector<16xi32>
        %add3A_218 = arith.addi %gather3A_212, %add3A_217 : vector<16xi32>
        %swap3A_219 = arith.constant 16 : index
        %swap3A_220 = tpu.vector_load %arg10[%swap3A_219] {strides = array<i32>} : memref<80xi32, #tpu.memory_space<vmem>>, vector<16xi32>,
        tpu.vector_store %arg10[%swap3A_219], %add3A_218 {strides = array<i32>} : memref<80xi32, #tpu.memory_space<vmem>>, vector<16xi32>,
        %swap3A_221 = arith.constant 16 : index
        %swap3A_222 = tpu.vector_load %arg12[%swap3A_221] {strides = array<i32>} : memref<80xi32, #tpu.memory_space<vmem>>, vector<16xi32>,
        tpu.vector_store %arg12[%swap3A_221], %gather3A_216 {strides = array<i32>} : memref<80xi32, #tpu.memory_space<vmem>>, vector<16xi32>,
        %add3A_223 = arith.constant 32 : i32
        %add3A_224 = arith.addi %mul3A_186, %add3A_223 : i32
        %add3A_225 = vector.broadcast %add3A_224 : i32 to vector<16xi32>
        %add3A_226 = arith.addi %add3A_225, %iota3A : vector<16xi32>
        %mul3A_227 = arith.constant 2 : i32
        %mul3A_228 = vector.broadcast %mul3A_227 : i32 to vector<16xi32>
        %mul3A_229 = arith.muli %mul3A_228, %add3A_226 : vector<16xi32>
        %gather3A_230 = tpu.vector_load_idx %arg8[%mul3A_229] : memref<4000xi32, #tpu.memory_space<vmem>>[vector<16xi32>], vector<16xi32>,
        %add3A_231 = arith.constant 1 : i32
        %add3A_232 = vector.broadcast %add3A_231 : i32 to vector<16xi32>
        %add3A_233 = arith.addi %mul3A_229, %add3A_232 : vector<16xi32>
        %gather3A_234 = tpu.vector_load_idx %arg8[%add3A_233] : memref<4000xi32, #tpu.memory_space<vmem>>[vector<16xi32>], vector<16xi32>,
        %add3A_235 = vector.broadcast %mul3A_22 : i32 to vector<16xi32>
        %add3A_236 = arith.addi %gather3A_230, %add3A_235 : vector<16xi32>
        %swap3A_237 = arith.constant 32 : index
        %swap3A_238 = tpu.vector_load %arg10[%swap3A_237] {strides = array<i32>} : memref<80xi32, #tpu.memory_space<vmem>>, vector<16xi32>,
        tpu.vector_store %arg10[%swap3A_237], %add3A_236 {strides = array<i32>} : memref<80xi32, #tpu.memory_space<vmem>>, vector<16xi32>,
        %swap3A_239 = arith.constant 32 : index
        %swap3A_240 = tpu.vector_load %arg12[%swap3A_239] {strides = array<i32>} : memref<80xi32, #tpu.memory_space<vmem>>, vector<16xi32>,
        tpu.vector_store %arg12[%swap3A_239], %gather3A_234 {strides = array<i32>} : memref<80xi32, #tpu.memory_space<vmem>>, vector<16xi32>,
        %add3A_241 = arith.constant 48 : i32
        %add3A_242 = arith.addi %mul3A_186, %add3A_241 : i32
        %add3A_243 = vector.broadcast %add3A_242 : i32 to vector<16xi32>
        %add3A_244 = arith.addi %add3A_243, %iota3A : vector<16xi32>
        %mul3A_245 = arith.constant 2 : i32
        %mul3A_246 = vector.broadcast %mul3A_245 : i32 to vector<16xi32>
        %mul3A_247 = arith.muli %mul3A_246, %add3A_244 : vector<16xi32>
        %gather3A_248 = tpu.vector_load_idx %arg8[%mul3A_247] : memref<4000xi32, #tpu.memory_space<vmem>>[vector<16xi32>], vector<16xi32>,
        %add3A_249 = arith.constant 1 : i32
        %add3A_250 = vector.broadcast %add3A_249 : i32 to vector<16xi32>
        %add3A_251 = arith.addi %mul3A_247, %add3A_250 : vector<16xi32>
        %gather3A_252 = tpu.vector_load_idx %arg8[%add3A_251] : memref<4000xi32, #tpu.memory_space<vmem>>[vector<16xi32>], vector<16xi32>,
        %add3A_253 = vector.broadcast %mul3A_22 : i32 to vector<16xi32>
        %add3A_254 = arith.addi %gather3A_248, %add3A_253 : vector<16xi32>
        %swap3A_255 = arith.constant 48 : index
        %swap3A_256 = tpu.vector_load %arg10[%swap3A_255] {strides = array<i32>} : memref<80xi32, #tpu.memory_space<vmem>>, vector<16xi32>,
        tpu.vector_store %arg10[%swap3A_255], %add3A_254 {strides = array<i32>} : memref<80xi32, #tpu.memory_space<vmem>>, vector<16xi32>,
        %swap3A_257 = arith.constant 48 : index
        %swap3A_258 = tpu.vector_load %arg12[%swap3A_257] {strides = array<i32>} : memref<80xi32, #tpu.memory_space<vmem>>, vector<16xi32>,
        tpu.vector_store %arg12[%swap3A_257], %gather3A_252 {strides = array<i32>} : memref<80xi32, #tpu.memory_space<vmem>>, vector<16xi32>,
        %add3A_259 = arith.constant 64 : i32
        %add3A_260 = arith.addi %mul3A_186, %add3A_259 : i32
        %add3A_261 = vector.broadcast %add3A_260 : i32 to vector<16xi32>
        %add3A_262 = arith.addi %add3A_261, %iota3A : vector<16xi32>
        %mul3A_263 = arith.constant 2 : i32
        %mul3A_264 = vector.broadcast %mul3A_263 : i32 to vector<16xi32>
        %mul3A_265 = arith.muli %mul3A_264, %add3A_262 : vector<16xi32>
        %gather3A_266 = tpu.vector_load_idx %arg8[%mul3A_265] : memref<4000xi32, #tpu.memory_space<vmem>>[vector<16xi32>], vector<16xi32>,
        %add3A_267 = arith.constant 1 : i32
        %add3A_268 = vector.broadcast %add3A_267 : i32 to vector<16xi32>
        %add3A_269 = arith.addi %mul3A_265, %add3A_268 : vector<16xi32>
        %gather3A_270 = tpu.vector_load_idx %arg8[%add3A_269] : memref<4000xi32, #tpu.memory_space<vmem>>[vector<16xi32>], vector<16xi32>,
        %add3A_271 = vector.broadcast %mul3A_22 : i32 to vector<16xi32>
        %add3A_272 = arith.addi %gather3A_266, %add3A_271 : vector<16xi32>
        %swap3A_273 = arith.constant 64 : index
        %swap3A_274 = tpu.vector_load %arg10[%swap3A_273] {strides = array<i32>} : memref<80xi32, #tpu.memory_space<vmem>>, vector<16xi32>,
        tpu.vector_store %arg10[%swap3A_273], %add3A_272 {strides = array<i32>} : memref<80xi32, #tpu.memory_space<vmem>>, vector<16xi32>,
        %swap3A_275 = arith.constant 64 : index
        %swap3A_276 = tpu.vector_load %arg12[%swap3A_275] {strides = array<i32>} : memref<80xi32, #tpu.memory_space<vmem>>, vector<16xi32>,
        tpu.vector_store %arg12[%swap3A_275], %gather3A_270 {strides = array<i32>} : memref<80xi32, #tpu.memory_space<vmem>>, vector<16xi32>,
        %dma_start3A_277 = arith.constant 0 : i32
        %dma_start3A_278 = arith.constant 0 : i32
        %dma_start3A_279 = tpu.memref_slice %arg3[%dma_start3A_277, %dma_start3A_278] : memref<20000x128xf32, #tpu.memory_space<hbm>> -> memref<20000x128xf32, #tpu.memory_space<hbm>>
        tpu.enqueue_indirect_dma source(%dma_start3A_279 : memref<20000x128xf32, #tpu.memory_space<hbm>>) target(%arg14 : memref<80x128xf32, #tpu.memory_space<vmem>>) offsets(%arg10 : memref<80xi32, #tpu.memory_space<vmem>>) semaphore(%arg17 : memref<!tpu.dma_semaphore, #tpu.memory_space<semaphore_mem>>)
        %dma_wait3A_280 = arith.constant 0 : i32
        %dma_wait3A_281 = arith.constant 0 : i32
        %dma_wait3A_282 = tpu.memref_slice %arg3[%dma_wait3A_280, %dma_wait3A_281] : memref<20000x128xf32, #tpu.memory_space<hbm>> -> memref<20000x128xf32, #tpu.memory_space<hbm>>
        tpu.wait_indirect_dma semaphore(%arg16 : memref<!tpu.dma_semaphore, #tpu.memory_space<semaphore_mem>>) src(%dma_wait3A_282 : memref<20000x128xf32, #tpu.memory_space<hbm>>) dst(%arg13 : memref<80x128xf32, #tpu.memory_space<vmem>>)
        %dma_start3A_283 = arith.constant 0 : i32
        %dma_start3A_284 = arith.constant 0 : i32
        %dma_start3A_285 = tpu.memref_slice %arg7[%dma_start3A_283, %dma_start3A_284] : memref<10000x16xf32, #tpu.memory_space<vmem_shared>> -> memref<10000x16xf32, #tpu.memory_space<vmem_shared>>
        tpu.enqueue_indirect_dma source(%arg15 : memref<80x16xf32, #tpu.memory_space<vmem>>) target(%dma_start3A_285 : memref<10000x16xf32, #tpu.memory_space<vmem_shared>>) offsets(%arg11 : memref<80xi32, #tpu.memory_space<vmem>>) semaphore(%arg18 : memref<!tpu.dma_semaphore, #tpu.memory_space<semaphore_mem>>) {add = true}
        "tpu.region"() ({
          %run_scoped3A = tpu.sem_alloc : memref<!tpu.dma_semaphore, #tpu.memory_space<semaphore_mem>>
          %dma_start3A_395 = arith.constant 0 : i32
          %dma_start3A_396 = arith.constant 0 : i32
          %dma_start3A_397 = tpu.memref_slice %arg6[%dma_start3A_395, %dma_start3A_396] : memref<10000x128xf32, #tpu.memory_space<vmem_shared>> -> memref<10000x128xf32, #tpu.memory_space<vmem_shared>>
          tpu.enqueue_indirect_dma source(%arg13 : memref<80x128xf32, #tpu.memory_space<vmem>>) target(%dma_start3A_397 : memref<10000x128xf32, #tpu.memory_space<vmem_shared>>) offsets(%arg11 : memref<80xi32, #tpu.memory_space<vmem>>) semaphore(%run_scoped3A : memref<!tpu.dma_semaphore, #tpu.memory_space<semaphore_mem>>) {add = true}
          %dma_wait3A_398 = arith.constant 0 : i32
          %dma_wait3A_399 = arith.constant 0 : i32
          %dma_wait3A_400 = tpu.memref_slice %arg6[%dma_wait3A_398, %dma_wait3A_399] : memref<10000x128xf32, #tpu.memory_space<vmem_shared>> -> memref<10000x128xf32, #tpu.memory_space<vmem_shared>>
          tpu.wait_indirect_dma semaphore(%run_scoped3A : memref<!tpu.dma_semaphore, #tpu.memory_space<semaphore_mem>>) src(%arg13 : memref<80x128xf32, #tpu.memory_space<vmem>>) dst(%dma_wait3A_400 : memref<10000x128xf32, #tpu.memory_space<vmem_shared>>)
          tpu.yield
        }) : () -> ()
        %dma_wait3A_286 = arith.constant 0 : i32
        %dma_wait3A_287 = arith.constant 0 : i32
        %dma_wait3A_288 = tpu.memref_slice %arg7[%dma_wait3A_286, %dma_wait3A_287] : memref<10000x16xf32, #tpu.memory_space<vmem_shared>> -> memref<10000x16xf32, #tpu.memory_space<vmem_shared>>
        tpu.wait_indirect_dma semaphore(%arg18 : memref<!tpu.dma_semaphore, #tpu.memory_space<semaphore_mem>>) src(%arg15 : memref<80x16xf32, #tpu.memory_space<vmem>>) dst(%dma_wait3A_288 : memref<10000x16xf32, #tpu.memory_space<vmem_shared>>)
        %add3A_289 = arith.constant 2 : i32
        %add3A_290 = arith.addi %mul3A_182, %add3A_289 : i32
        %mul3A_291 = arith.constant 80 : i32
        %mul3A_292 = arith.muli %add3A_290, %mul3A_291 : i32
        %add3A_293 = arith.constant 0 : i32
        %add3A_294 = arith.addi %mul3A_292, %add3A_293 : i32
        %add3A_295 = vector.broadcast %add3A_294 : i32 to vector<16xi32>
        %add3A_296 = arith.addi %add3A_295, %iota3A : vector<16xi32>
        %mul3A_297 = arith.constant 2 : i32
        %mul3A_298 = vector.broadcast %mul3A_297 : i32 to vector<16xi32>
        %mul3A_299 = arith.muli %mul3A_298, %add3A_296 : vector<16xi32>
        %gather3A_300 = tpu.vector_load_idx %arg8[%mul3A_299] : memref<4000xi32, #tpu.memory_space<vmem>>[vector<16xi32>], vector<16xi32>,
        %add3A_301 = arith.constant 1 : i32
        %add3A_302 = vector.broadcast %add3A_301 : i32 to vector<16xi32>
        %add3A_303 = arith.addi %mul3A_299, %add3A_302 : vector<16xi32>
        %gather3A_304 = tpu.vector_load_idx %arg8[%add3A_303] : memref<4000xi32, #tpu.memory_space<vmem>>[vector<16xi32>], vector<16xi32>,
        %add3A_305 = vector.broadcast %mul3A_22 : i32 to vector<16xi32>
        %add3A_306 = arith.addi %gather3A_300, %add3A_305 : vector<16xi32>
        %swap3A_307 = arith.constant 0 : index
        %swap3A_308 = tpu.vector_load %arg9[%swap3A_307] {strides = array<i32>} : memref<80xi32, #tpu.memory_space<vmem>>, vector<16xi32>,
        tpu.vector_store %arg9[%swap3A_307], %add3A_306 {strides = array<i32>} : memref<80xi32, #tpu.memory_space<vmem>>, vector<16xi32>,
        %swap3A_309 = arith.constant 0 : index
        %swap3A_310 = tpu.vector_load %arg11[%swap3A_309] {strides = array<i32>} : memref<80xi32, #tpu.memory_space<vmem>>, vector<16xi32>,
        tpu.vector_store %arg11[%swap3A_309], %gather3A_304 {strides = array<i32>} : memref<80xi32, #tpu.memory_space<vmem>>, vector<16xi32>,
        %add3A_311 = arith.constant 16 : i32
        %add3A_312 = arith.addi %mul3A_292, %add3A_311 : i32
        %add3A_313 = vector.broadcast %add3A_312 : i32 to vector<16xi32>
        %add3A_314 = arith.addi %add3A_313, %iota3A : vector<16xi32>
        %mul3A_315 = arith.constant 2 : i32
        %mul3A_316 = vector.broadcast %mul3A_315 : i32 to vector<16xi32>
        %mul3A_317 = arith.muli %mul3A_316, %add3A_314 : vector<16xi32>
        %gather3A_318 = tpu.vector_load_idx %arg8[%mul3A_317] : memref<4000xi32, #tpu.memory_space<vmem>>[vector<16xi32>], vector<16xi32>,
        %add3A_319 = arith.constant 1 : i32
        %add3A_320 = vector.broadcast %add3A_319 : i32 to vector<16xi32>
        %add3A_321 = arith.addi %mul3A_317, %add3A_320 : vector<16xi32>
        %gather3A_322 = tpu.vector_load_idx %arg8[%add3A_321] : memref<4000xi32, #tpu.memory_space<vmem>>[vector<16xi32>], vector<16xi32>,
        %add3A_323 = vector.broadcast %mul3A_22 : i32 to vector<16xi32>
        %add3A_324 = arith.addi %gather3A_318, %add3A_323 : vector<16xi32>
        %swap3A_325 = arith.constant 16 : index
        %swap3A_326 = tpu.vector_load %arg9[%swap3A_325] {strides = array<i32>} : memref<80xi32, #tpu.memory_space<vmem>>, vector<16xi32>,
        tpu.vector_store %arg9[%swap3A_325], %add3A_324 {strides = array<i32>} : memref<80xi32, #tpu.memory_space<vmem>>, vector<16xi32>,
        %swap3A_327 = arith.constant 16 : index
        %swap3A_328 = tpu.vector_load %arg11[%swap3A_327] {strides = array<i32>} : memref<80xi32, #tpu.memory_space<vmem>>, vector<16xi32>,
        tpu.vector_store %arg11[%swap3A_327], %gather3A_322 {strides = array<i32>} : memref<80xi32, #tpu.memory_space<vmem>>, vector<16xi32>,
        %add3A_329 = arith.constant 32 : i32
        %add3A_330 = arith.addi %mul3A_292, %add3A_329 : i32
        %add3A_331 = vector.broadcast %add3A_330 : i32 to vector<16xi32>
        %add3A_332 = arith.addi %add3A_331, %iota3A : vector<16xi32>
        %mul3A_333 = arith.constant 2 : i32
        %mul3A_334 = vector.broadcast %mul3A_333 : i32 to vector<16xi32>
        %mul3A_335 = arith.muli %mul3A_334, %add3A_332 : vector<16xi32>
        %gather3A_336 = tpu.vector_load_idx %arg8[%mul3A_335] : memref<4000xi32, #tpu.memory_space<vmem>>[vector<16xi32>], vector<16xi32>,
        %add3A_337 = arith.constant 1 : i32
        %add3A_338 = vector.broadcast %add3A_337 : i32 to vector<16xi32>
        %add3A_339 = arith.addi %mul3A_335, %add3A_338 : vector<16xi32>
        %gather3A_340 = tpu.vector_load_idx %arg8[%add3A_339] : memref<4000xi32, #tpu.memory_space<vmem>>[vector<16xi32>], vector<16xi32>,
        %add3A_341 = vector.broadcast %mul3A_22 : i32 to vector<16xi32>
        %add3A_342 = arith.addi %gather3A_336, %add3A_341 : vector<16xi32>
        %swap3A_343 = arith.constant 32 : index
        %swap3A_344 = tpu.vector_load %arg9[%swap3A_343] {strides = array<i32>} : memref<80xi32, #tpu.memory_space<vmem>>, vector<16xi32>,
        tpu.vector_store %arg9[%swap3A_343], %add3A_342 {strides = array<i32>} : memref<80xi32, #tpu.memory_space<vmem>>, vector<16xi32>,
        %swap3A_345 = arith.constant 32 : index
        %swap3A_346 = tpu.vector_load %arg11[%swap3A_345] {strides = array<i32>} : memref<80xi32, #tpu.memory_space<vmem>>, vector<16xi32>,
        tpu.vector_store %arg11[%swap3A_345], %gather3A_340 {strides = array<i32>} : memref<80xi32, #tpu.memory_space<vmem>>, vector<16xi32>,
        %add3A_347 = arith.constant 48 : i32
        %add3A_348 = arith.addi %mul3A_292, %add3A_347 : i32
        %add3A_349 = vector.broadcast %add3A_348 : i32 to vector<16xi32>
        %add3A_350 = arith.addi %add3A_349, %iota3A : vector<16xi32>
        %mul3A_351 = arith.constant 2 : i32
        %mul3A_352 = vector.broadcast %mul3A_351 : i32 to vector<16xi32>
        %mul3A_353 = arith.muli %mul3A_352, %add3A_350 : vector<16xi32>
        %gather3A_354 = tpu.vector_load_idx %arg8[%mul3A_353] : memref<4000xi32, #tpu.memory_space<vmem>>[vector<16xi32>], vector<16xi32>,
        %add3A_355 = arith.constant 1 : i32
        %add3A_356 = vector.broadcast %add3A_355 : i32 to vector<16xi32>
        %add3A_357 = arith.addi %mul3A_353, %add3A_356 : vector<16xi32>
        %gather3A_358 = tpu.vector_load_idx %arg8[%add3A_357] : memref<4000xi32, #tpu.memory_space<vmem>>[vector<16xi32>], vector<16xi32>,
        %add3A_359 = vector.broadcast %mul3A_22 : i32 to vector<16xi32>
        %add3A_360 = arith.addi %gather3A_354, %add3A_359 : vector<16xi32>
        %swap3A_361 = arith.constant 48 : index
        %swap3A_362 = tpu.vector_load %arg9[%swap3A_361] {strides = array<i32>} : memref<80xi32, #tpu.memory_space<vmem>>, vector<16xi32>,
        tpu.vector_store %arg9[%swap3A_361], %add3A_360 {strides = array<i32>} : memref<80xi32, #tpu.memory_space<vmem>>, vector<16xi32>,
        %swap3A_363 = arith.constant 48 : index
        %swap3A_364 = tpu.vector_load %arg11[%swap3A_363] {strides = array<i32>} : memref<80xi32, #tpu.memory_space<vmem>>, vector<16xi32>,
        tpu.vector_store %arg11[%swap3A_363], %gather3A_358 {strides = array<i32>} : memref<80xi32, #tpu.memory_space<vmem>>, vector<16xi32>,
        %add3A_365 = arith.constant 64 : i32
        %add3A_366 = arith.addi %mul3A_292, %add3A_365 : i32
        %add3A_367 = vector.broadcast %add3A_366 : i32 to vector<16xi32>
        %add3A_368 = arith.addi %add3A_367, %iota3A : vector<16xi32>
        %mul3A_369 = arith.constant 2 : i32
        %mul3A_370 = vector.broadcast %mul3A_369 : i32 to vector<16xi32>
        %mul3A_371 = arith.muli %mul3A_370, %add3A_368 : vector<16xi32>
        %gather3A_372 = tpu.vector_load_idx %arg8[%mul3A_371] : memref<4000xi32, #tpu.memory_space<vmem>>[vector<16xi32>], vector<16xi32>,
        %add3A_373 = arith.constant 1 : i32
        %add3A_374 = vector.broadcast %add3A_373 : i32 to vector<16xi32>
        %add3A_375 = arith.addi %mul3A_371, %add3A_374 : vector<16xi32>
        %gather3A_376 = tpu.vector_load_idx %arg8[%add3A_375] : memref<4000xi32, #tpu.memory_space<vmem>>[vector<16xi32>], vector<16xi32>,
        %add3A_377 = vector.broadcast %mul3A_22 : i32 to vector<16xi32>
        %add3A_378 = arith.addi %gather3A_372, %add3A_377 : vector<16xi32>
        %swap3A_379 = arith.constant 64 : index
        %swap3A_380 = tpu.vector_load %arg9[%swap3A_379] {strides = array<i32>} : memref<80xi32, #tpu.memory_space<vmem>>, vector<16xi32>,
        tpu.vector_store %arg9[%swap3A_379], %add3A_378 {strides = array<i32>} : memref<80xi32, #tpu.memory_space<vmem>>, vector<16xi32>,
        %swap3A_381 = arith.constant 64 : index
        %swap3A_382 = tpu.vector_load %arg11[%swap3A_381] {strides = array<i32>} : memref<80xi32, #tpu.memory_space<vmem>>, vector<16xi32>,
        tpu.vector_store %arg11[%swap3A_381], %gather3A_376 {strides = array<i32>} : memref<80xi32, #tpu.memory_space<vmem>>, vector<16xi32>,
        %dma_start3A_383 = arith.constant 0 : i32
        %dma_start3A_384 = arith.constant 0 : i32
        %dma_start3A_385 = tpu.memref_slice %arg3[%dma_start3A_383, %dma_start3A_384] : memref<20000x128xf32, #tpu.memory_space<hbm>> -> memref<20000x128xf32, #tpu.memory_space<hbm>>
        tpu.enqueue_indirect_dma source(%dma_start3A_385 : memref<20000x128xf32, #tpu.memory_space<hbm>>) target(%arg13 : memref<80x128xf32, #tpu.memory_space<vmem>>) offsets(%arg9 : memref<80xi32, #tpu.memory_space<vmem>>) semaphore(%arg16 : memref<!tpu.dma_semaphore, #tpu.memory_space<semaphore_mem>>)
        %dma_wait3A_386 = arith.constant 0 : i32
        %dma_wait3A_387 = arith.constant 0 : i32
        %dma_wait3A_388 = tpu.memref_slice %arg3[%dma_wait3A_386, %dma_wait3A_387] : memref<20000x128xf32, #tpu.memory_space<hbm>> -> memref<20000x128xf32, #tpu.memory_space<hbm>>
        tpu.wait_indirect_dma semaphore(%arg17 : memref<!tpu.dma_semaphore, #tpu.memory_space<semaphore_mem>>) src(%dma_wait3A_388 : memref<20000x128xf32, #tpu.memory_space<hbm>>) dst(%arg14 : memref<80x128xf32, #tpu.memory_space<vmem>>)
        %dma_start3A_389 = arith.constant 0 : i32
        %dma_start3A_390 = arith.constant 0 : i32
        %dma_start3A_391 = tpu.memref_slice %arg7[%dma_start3A_389, %dma_start3A_390] : memref<10000x16xf32, #tpu.memory_space<vmem_shared>> -> memref<10000x16xf32, #tpu.memory_space<vmem_shared>>
        tpu.enqueue_indirect_dma source(%arg15 : memref<80x16xf32, #tpu.memory_space<vmem>>) target(%dma_start3A_391 : memref<10000x16xf32, #tpu.memory_space<vmem_shared>>) offsets(%arg12 : memref<80xi32, #tpu.memory_space<vmem>>) semaphore(%arg18 : memref<!tpu.dma_semaphore, #tpu.memory_space<semaphore_mem>>) {add = true}
        "tpu.region"() ({
          %run_scoped3A = tpu.sem_alloc : memref<!tpu.dma_semaphore, #tpu.memory_space<semaphore_mem>>
          %dma_start3A_395 = arith.constant 0 : i32
          %dma_start3A_396 = arith.constant 0 : i32
          %dma_start3A_397 = tpu.memref_slice %arg6[%dma_start3A_395, %dma_start3A_396] : memref<10000x128xf32, #tpu.memory_space<vmem_shared>> -> memref<10000x128xf32, #tpu.memory_space<vmem_shared>>
          tpu.enqueue_indirect_dma source(%arg14 : memref<80x128xf32, #tpu.memory_space<vmem>>) target(%dma_start3A_397 : memref<10000x128xf32, #tpu.memory_space<vmem_shared>>) offsets(%arg12 : memref<80xi32, #tpu.memory_space<vmem>>) semaphore(%run_scoped3A : memref<!tpu.dma_semaphore, #tpu.memory_space<semaphore_mem>>) {add = true}
          %dma_wait3A_398 = arith.constant 0 : i32
          %dma_wait3A_399 = arith.constant 0 : i32
          %dma_wait3A_400 = tpu.memref_slice %arg6[%dma_wait3A_398, %dma_wait3A_399] : memref<10000x128xf32, #tpu.memory_space<vmem_shared>> -> memref<10000x128xf32, #tpu.memory_space<vmem_shared>>
          tpu.wait_indirect_dma semaphore(%run_scoped3A : memref<!tpu.dma_semaphore, #tpu.memory_space<semaphore_mem>>) src(%arg14 : memref<80x128xf32, #tpu.memory_space<vmem>>) dst(%dma_wait3A_400 : memref<10000x128xf32, #tpu.memory_space<vmem_shared>>)
          tpu.yield
        }) : () -> ()
        %dma_wait3A_392 = arith.constant 0 : i32
        %dma_wait3A_393 = arith.constant 0 : i32
        %dma_wait3A_394 = tpu.memref_slice %arg7[%dma_wait3A_392, %dma_wait3A_393] : memref<10000x16xf32, #tpu.memory_space<vmem_shared>> -> memref<10000x16xf32, #tpu.memory_space<vmem_shared>>
        tpu.wait_indirect_dma semaphore(%arg18 : memref<!tpu.dma_semaphore, #tpu.memory_space<semaphore_mem>>) src(%arg15 : memref<80x16xf32, #tpu.memory_space<vmem>>) dst(%dma_wait3A_394 : memref<10000x16xf32, #tpu.memory_space<vmem_shared>>)
      }
      %scan3A_167 = arith.constant 12 : i32
      %dma_wait3A = arith.constant 0 : i32
      %dma_wait3A_168 = arith.constant 0 : i32
      %dma_wait3A_169 = tpu.memref_slice %arg3[%dma_wait3A, %dma_wait3A_168] : memref<20000x128xf32, #tpu.memory_space<hbm>> -> memref<20000x128xf32, #tpu.memory_space<hbm>>
      tpu.wait_indirect_dma semaphore(%arg16 : memref<!tpu.dma_semaphore, #tpu.memory_space<semaphore_mem>>) src(%dma_wait3A_169 : memref<20000x128xf32, #tpu.memory_space<hbm>>) dst(%arg13 : memref<80x128xf32, #tpu.memory_space<vmem>>)
      %dma_start3A_170 = arith.constant 0 : i32
      %dma_start3A_171 = arith.constant 0 : i32
      %dma_start3A_172 = tpu.memref_slice %arg7[%dma_start3A_170, %dma_start3A_171] : memref<10000x16xf32, #tpu.memory_space<vmem_shared>> -> memref<10000x16xf32, #tpu.memory_space<vmem_shared>>
      tpu.enqueue_indirect_dma source(%arg15 : memref<80x16xf32, #tpu.memory_space<vmem>>) target(%dma_start3A_172 : memref<10000x16xf32, #tpu.memory_space<vmem_shared>>) offsets(%arg11 : memref<80xi32, #tpu.memory_space<vmem>>) semaphore(%arg18 : memref<!tpu.dma_semaphore, #tpu.memory_space<semaphore_mem>>) {add = true}
      "tpu.region"() ({
        %run_scoped3A = tpu.sem_alloc : memref<!tpu.dma_semaphore, #tpu.memory_space<semaphore_mem>>
        %dma_start3A_176 = arith.constant 0 : i32
        %dma_start3A_177 = arith.constant 0 : i32
        %dma_start3A_178 = tpu.memref_slice %arg6[%dma_start3A_176, %dma_start3A_177] : memref<10000x128xf32, #tpu.memory_space<vmem_shared>> -> memref<10000x128xf32, #tpu.memory_space<vmem_shared>>
        tpu.enqueue_indirect_dma source(%arg13 : memref<80x128xf32, #tpu.memory_space<vmem>>) target(%dma_start3A_178 : memref<10000x128xf32, #tpu.memory_space<vmem_shared>>) offsets(%arg11 : memref<80xi32, #tpu.memory_space<vmem>>) semaphore(%run_scoped3A : memref<!tpu.dma_semaphore, #tpu.memory_space<semaphore_mem>>) {add = true}
        %dma_wait3A_179 = arith.constant 0 : i32
        %dma_wait3A_180 = arith.constant 0 : i32
        %dma_wait3A_181 = tpu.memref_slice %arg6[%dma_wait3A_179, %dma_wait3A_180] : memref<10000x128xf32, #tpu.memory_space<vmem_shared>> -> memref<10000x128xf32, #tpu.memory_space<vmem_shared>>
        tpu.wait_indirect_dma semaphore(%run_scoped3A : memref<!tpu.dma_semaphore, #tpu.memory_space<semaphore_mem>>) src(%arg13 : memref<80x128xf32, #tpu.memory_space<vmem>>) dst(%dma_wait3A_181 : memref<10000x128xf32, #tpu.memory_space<vmem_shared>>)
        tpu.yield
      }) : () -> ()
      %dma_wait3A_173 = arith.constant 0 : i32
      %dma_wait3A_174 = arith.constant 0 : i32
      %dma_wait3A_175 = tpu.memref_slice %arg7[%dma_wait3A_173, %dma_wait3A_174] : memref<10000x16xf32, #tpu.memory_space<vmem_shared>> -> memref<10000x16xf32, #tpu.memory_space<vmem_shared>>
      tpu.wait_indirect_dma semaphore(%arg18 : memref<!tpu.dma_semaphore, #tpu.memory_space<semaphore_mem>>) src(%arg15 : memref<80x16xf32, #tpu.memory_space<vmem>>) dst(%dma_wait3A_175 : memref<10000x16xf32, #tpu.memory_space<vmem_shared>>)
    }
    %scan3A_64 = arith.constant 5 : i32
    %barrier3A_65 = arith.constant 0 : index
    tpu.barrier barrier_id(%barrier3A_65)
    "tpu.region"() ({
      %run_scoped3A = tpu.sem_alloc : memref<!tpu.dma_semaphore, #tpu.memory_space<semaphore_mem>>
      %dma_start3A = arith.constant 0 : i32
      %dma_start3A_66 = tpu.memref_slice %arg4[%arg0, %mul3A_2, %dma_start3A] : memref<2x10000x128xf32, #tpu.memory_space<hbm>> -> memref<1x625x128xf32, #tpu.memory_space<hbm>>
      %dma_start3A_67 = tpu.memref_squeeze %dma_start3A_66 : memref<1x625x128xf32, #tpu.memory_space<hbm>> -> memref<625x128xf32, #tpu.memory_space<hbm>>
      %dma_start3A_68 = arith.constant 0 : i32
      %dma_start3A_69 = tpu.memref_slice %arg6[%mul3A_2, %dma_start3A_68] : memref<10000x128xf32, #tpu.memory_space<vmem_shared>> -> memref<625x128xf32, #tpu.memory_space<vmem_shared>>
      tpu.enqueue_dma source(%dma_start3A_69 : memref<625x128xf32, #tpu.memory_space<vmem_shared>>) target(%dma_start3A_67 : memref<625x128xf32, #tpu.memory_space<hbm>>) target_semaphore(%run_scoped3A : memref<!tpu.dma_semaphore, #tpu.memory_space<semaphore_mem>>)
      %dma_wait3A = arith.constant 0 : i32
      %dma_wait3A_70 = tpu.memref_slice %arg4[%arg0, %mul3A_2, %dma_wait3A] : memref<2x10000x128xf32, #tpu.memory_space<hbm>> -> memref<1x625x128xf32, #tpu.memory_space<hbm>>
      %dma_wait3A_71 = tpu.memref_squeeze %dma_wait3A_70 : memref<1x625x128xf32, #tpu.memory_space<hbm>> -> memref<625x128xf32, #tpu.memory_space<hbm>>
      %dma_wait3A_72 = arith.constant 0 : i32
      %dma_wait3A_73 = tpu.memref_slice %arg6[%mul3A_2, %dma_wait3A_72] : memref<10000x128xf32, #tpu.memory_space<vmem_shared>> -> memref<625x128xf32, #tpu.memory_space<vmem_shared>>
      tpu.wait_dma2 semaphore(%run_scoped3A : memref<!tpu.dma_semaphore, #tpu.memory_space<semaphore_mem>>) src(%dma_wait3A_73 : memref<625x128xf32, #tpu.memory_space<vmem_shared>>) dst(%dma_wait3A_71 : memref<625x128xf32, #tpu.memory_space<hbm>>)
      tpu.yield
    }) : () -> ()
    "tpu.region"() ({
      %run_scoped3A = tpu.sem_alloc : memref<!tpu.dma_semaphore, #tpu.memory_space<semaphore_mem>>
      %dma_start3A = arith.constant 0 : i32
      %dma_start3A_66 = tpu.memref_slice %arg5[%arg0, %mul3A_2, %dma_start3A] : memref<2x10000x16xf32, #tpu.memory_space<hbm>> -> memref<1x625x16xf32, #tpu.memory_space<hbm>>
      %dma_start3A_67 = tpu.memref_squeeze %dma_start3A_66 : memref<1x625x16xf32, #tpu.memory_space<hbm>> -> memref<625x16xf32, #tpu.memory_space<hbm>>
      %dma_start3A_68 = arith.constant 0 : i32
      %dma_start3A_69 = tpu.memref_slice %arg7[%mul3A_2, %dma_start3A_68] : memref<10000x16xf32, #tpu.memory_space<vmem_shared>> -> memref<625x16xf32, #tpu.memory_space<vmem_shared>>
      tpu.enqueue_dma source(%dma_start3A_69 : memref<625x16xf32, #tpu.memory_space<vmem_shared>>) target(%dma_start3A_67 : memref<625x16xf32, #tpu.memory_space<hbm>>) target_semaphore(%run_scoped3A : memref<!tpu.dma_semaphore, #tpu.memory_space<semaphore_mem>>)
      %dma_wait3A = arith.constant 0 : i32
      %dma_wait3A_70 = tpu.memref_slice %arg5[%arg0, %mul3A_2, %dma_wait3A] : memref<2x10000x16xf32, #tpu.memory_space<hbm>> -> memref<1x625x16xf32, #tpu.memory_space<hbm>>
      %dma_wait3A_71 = tpu.memref_squeeze %dma_wait3A_70 : memref<1x625x16xf32, #tpu.memory_space<hbm>> -> memref<625x16xf32, #tpu.memory_space<hbm>>
      %dma_wait3A_72 = arith.constant 0 : i32
      %dma_wait3A_73 = tpu.memref_slice %arg7[%mul3A_2, %dma_wait3A_72] : memref<10000x16xf32, #tpu.memory_space<vmem_shared>> -> memref<625x16xf32, #tpu.memory_space<vmem_shared>>
      tpu.wait_dma2 semaphore(%run_scoped3A : memref<!tpu.dma_semaphore, #tpu.memory_space<semaphore_mem>>) src(%dma_wait3A_73 : memref<625x16xf32, #tpu.memory_space<vmem_shared>>) dst(%dma_wait3A_71 : memref<625x16xf32, #tpu.memory_space<hbm>>)
      tpu.yield
    }) : () -> ()
    return
  }
}

module attributes {stable_mosaic.version = 14 : i64} {
  func.func @body(%arg0: i32, %arg1: i32, %arg2: memref<1000x128xf32, #tpu.memory_space<vmem>>, %arg3: memref<128x128xf32, #tpu.memory_space<vmem>>, %arg4: memref<1x1x128xf32, #tpu.memory_space<vmem>>, %arg5: memref<1000x128xf32, #tpu.memory_space<vmem>>) attributes {dimension_semantics = [#tpu.dimension_semantics<arbitrary>, #tpu.dimension_semantics<arbitrary>], iteration_bounds = array<i64: 10, 2>, scalar_prefetch = 0 : i64, scratch_operands = 0 : i64, tpu.core_type = #tpu.core_type<tc>, window_params = [{transform_indices = @transform_0, window_bounds = array<i64: 1000, 128>}, {transform_indices = @transform_1, window_bounds = array<i64: 128, 128>}, {transform_indices = @transform_2, window_bounds = array<i64: 1, 1, 128>}, {transform_indices = @transform_3, window_bounds = array<i64: 1000, 128>}]} {
    %get3A = arith.constant 0 : index
    %get3A_0 = arith.constant 0 : index
    %get3A_1 = vector.load %arg2[%get3A, %get3A_0] : memref<1000x128xf32, #tpu.memory_space<vmem>>, vector<1000x128xf32>
    %get3A_2 = arith.constant 0 : index
    %get3A_3 = arith.constant 0 : index
    %get3A_4 = vector.load %arg3[%get3A_2, %get3A_3] : memref<128x128xf32, #tpu.memory_space<vmem>>, vector<128x128xf32>
    %dot_general3A = arith.constant dense<0.000000e+00> : vector<1000x128xf32>
    %dot_general3A_5 = tpu.matmul %get3A_1, %get3A_4, %dot_general3A {dimension_numbers = #tpu.dot_dimension_numbers<[1], [0], [0], [1], [0, 0, 1, 1], [], []>, transpose_lhs_hint = false} : vector<1000x128xf32>, vector<128x128xf32>, vector<1000x128xf32> -> vector<1000x128xf32>
    %get3A_6 = arith.constant 0 : index
    %get3A_7 = arith.constant 0 : index
    %get3A_8 = arith.constant 0 : index
    %get3A_9 = vector.load %arg4[%get3A_6, %get3A_7, %get3A_8] : memref<1x1x128xf32, #tpu.memory_space<vmem>>, vector<1x1x128xf32>
    %get3A_10 = vector.shape_cast %get3A_9 : vector<1x1x128xf32> to vector<1x128xf32>
    %add3A = vector.broadcast %get3A_10 : vector<1x128xf32> to vector<1000x128xf32>
    %add3A_11 = arith.addf %dot_general3A_5, %add3A : vector<1000x128xf32>
    %swap3A = arith.constant 0 : index
    %swap3A_12 = arith.constant 0 : index
    %swap3A_13 = vector.load %arg5[%swap3A, %swap3A_12] : memref<1000x128xf32, #tpu.memory_space<vmem>>, vector<1000x128xf32>
    tpu.vector_store %arg5[%swap3A, %swap3A_12], %add3A_11 {strides = array<i32>} : memref<1000x128xf32, #tpu.memory_space<vmem>>, vector<1000x128xf32>,
    return
  }
  func.func @transform_0(%arg0: i32, %arg1: i32) -> (i32, i32) {
    %c0_i32 = arith.constant 0 : i32
    %c0_i32_0 = arith.constant 0 : i32
    return %arg0, %c0_i32 : i32, i32
  }
  func.func @transform_1(%arg0: i32, %arg1: i32) -> (i32, i32) {
    %c0_i32 = arith.constant 0 : i32
    %c0_i32_0 = arith.constant 0 : i32
    return %c0_i32, %arg1 : i32, i32
  }
  func.func @transform_2(%arg0: i32, %arg1: i32) -> (i32, i32, i32) {
    %c0_i32 = arith.constant 0 : i32
    %c0_i32_0 = arith.constant 0 : i32
    %c0_i32_1 = arith.constant 0 : i32
    return %arg1, %c0_i32, %c0_i32_0 : i32, i32, i32
  }
  func.func @transform_3(%arg0: i32, %arg1: i32) -> (i32, i32) {
    %mul3A = arith.constant 10 : i32
    %mul3A_0 = arith.muli %arg1, %mul3A : i32
    %add3A = arith.addi %mul3A_0, %arg0 : i32
    %c0_i32 = arith.constant 0 : i32
    %c0_i32_1 = arith.constant 0 : i32
    return %add3A, %c0_i32 : i32, i32
  }
}

module attributes {stable_mosaic.version = 14 : i64} {
  func.func @body(%arg0: i32, %arg1: memref<2x1000x128xf32, #tpu.memory_space<vmem>>, %arg2: memref<2x1000x16xf32, #tpu.memory_space<vmem>>, %arg3: memref<1000x128xf32, #tpu.memory_space<vmem>>) attributes {dimension_semantics = [#tpu.dimension_semantics<arbitrary>], iteration_bounds = array<i64: 10>, scalar_prefetch = 0 : i64, scratch_operands = 0 : i64, tpu.core_type = #tpu.core_type<tc>, window_params = [{transform_indices = @transform_0, window_bounds = array<i64: 2, 1000, 128>}, {transform_indices = @transform_1, window_bounds = array<i64: 2, 1000, 16>}, {transform_indices = @transform_2, window_bounds = array<i64: 1000, 128>}]} {
    %get3A = arith.constant 0 : index
    %get3A_0 = arith.constant 0 : index
    %get3A_1 = arith.constant 0 : index
    %get3A_2 = vector.load %arg1[%get3A, %get3A_0, %get3A_1] : memref<2x1000x128xf32, #tpu.memory_space<vmem>>, vector<1x1000x128xf32>
    %get3A_3 = vector.shape_cast %get3A_2 : vector<1x1000x128xf32> to vector<1000x128xf32>
    %get3A_4 = arith.constant 1 : index
    %get3A_5 = arith.constant 0 : index
    %get3A_6 = arith.constant 0 : index
    %get3A_7 = vector.load %arg1[%get3A_4, %get3A_5, %get3A_6] : memref<2x1000x128xf32, #tpu.memory_space<vmem>>, vector<1x1000x128xf32>
    %get3A_8 = vector.shape_cast %get3A_7 : vector<1x1000x128xf32> to vector<1000x128xf32>
    %add3A = arith.addf %get3A_3, %get3A_8 : vector<1000x128xf32>
    %get3A_9 = arith.constant 0 : index
    %get3A_10 = arith.constant 0 : index
    %get3A_11 = arith.constant 0 : index
    %get3A_12 = vector.load %arg2[%get3A_9, %get3A_10, %get3A_11] : memref<2x1000x16xf32, #tpu.memory_space<vmem>>, vector<1x1000x16xf32>
    %get3A_13 = vector.shape_cast %get3A_12 : vector<1x1000x16xf32> to vector<1000x16xf32>
    %get3A_14 = arith.constant 1 : index
    %get3A_15 = arith.constant 0 : index
    %get3A_16 = arith.constant 0 : index
    %get3A_17 = vector.load %arg2[%get3A_14, %get3A_15, %get3A_16] : memref<2x1000x16xf32, #tpu.memory_space<vmem>>, vector<1x1000x16xf32>
    %get3A_18 = vector.shape_cast %get3A_17 : vector<1x1000x16xf32> to vector<1000x16xf32>
    %add3A_19 = arith.addf %get3A_13, %get3A_18 : vector<1000x16xf32>
    %slice3A = vector.extract_strided_slice %add3A_19 {offsets = [0, 0], sizes = [1000, 1], strides = [1, 1]} : vector<1000x16xf32> to vector<1000x1xf32>
    %eq3A = arith.constant 0.000000e+00 : f32
    %eq3A_20 = vector.broadcast %eq3A : f32 to vector<1000x1xf32>
    %eq3A_21 = arith.cmpf oeq, %slice3A, %eq3A_20 : vector<1000x1xf32>
    %jit3A = arith.constant 1.000000e+00 : f32
    %broadcast_in_dim3A = vector.broadcast %jit3A : f32 to vector<1000x1xf32>
    %select_n3A = arith.select %eq3A_21, %broadcast_in_dim3A, %slice3A : vector<1000x1xi1>, vector<1000x1xf32>
    %add3A_22 = arith.constant 9.99999993E-9 : f32
    %add3A_23 = vector.broadcast %add3A_22 : f32 to vector<1000x1xf32>
    %add3A_24 = arith.addf %select_n3A, %add3A_23 : vector<1000x1xf32>
    %div3A = vector.broadcast %add3A_24 : vector<1000x1xf32> to vector<1000x128xf32>
    %div3A_25 = arith.divf %add3A, %div3A : vector<1000x128xf32>
    %swap3A = arith.constant 0 : index
    %swap3A_26 = arith.constant 0 : index
    %swap3A_27 = vector.load %arg3[%swap3A, %swap3A_26] : memref<1000x128xf32, #tpu.memory_space<vmem>>, vector<1000x128xf32>
    tpu.vector_store %arg3[%swap3A, %swap3A_26], %div3A_25 {strides = array<i32>} : memref<1000x128xf32, #tpu.memory_space<vmem>>, vector<1000x128xf32>,
    return
  }
  func.func @transform_0(%arg0: i32) -> (i32, i32, i32) {
    %c0_i32 = arith.constant 0 : i32
    %c0_i32_0 = arith.constant 0 : i32
    %c0_i32_1 = arith.constant 0 : i32
    return %c0_i32, %arg0, %c0_i32_0 : i32, i32, i32
  }
  func.func @transform_1(%arg0: i32) -> (i32, i32, i32) {
    %c0_i32 = arith.constant 0 : i32
    %c0_i32_0 = arith.constant 0 : i32
    %c0_i32_1 = arith.constant 0 : i32
    return %c0_i32, %arg0, %c0_i32_0 : i32, i32, i32
  }
  func.func @transform_2(%arg0: i32) -> (i32, i32) {
    %c0_i32 = arith.constant 0 : i32
    %c0_i32_0 = arith.constant 0 : i32
    return %arg0, %c0_i32 : i32, i32
  }
}

</mosaic_0001>

<sc_bundles>
// kernel: kernel.5.cloned.1.call-start
scs
__scs_entry_jumppad:
0x0: {  	(pc) =	sbr.rel $0x88, $3  }
0x1: {  	(tag) =	ssettag $0x0;
	lr =	simm.s32 $0x1  }
0x2: {  	[smem:$0x3F9D] =	sst lr;
	_ =	strace $0xD0000000  }
0x3: {  	_ = 	snop  }
0x4: {  	_ = 	snop  }
0x5: {  	_ = 	snop  }
0x6: {  	_ = 	snop  }
0x7: {  	_ = 	snop  }
__scs_overlays_trampoline_lowered:
0x8: {  	[smem:$0x3FAC] =	sst s0  }
0x9: {  	[smem:$0x3FAD] =	sst s1  }
0xa: {  	[smem:$0x3FAE] =	sst s2  }
0xb: {  	[smem:$0x3FAF] =	sst s3  }
0xc: {  	[smem:$0x3FB0] =	sst s4  }
0xd: {  	[smem:$0x3FB1] =	sst s5  }
0xe: {  	[smem:$0x3FB2] =	sst s6  }
0xf: {  	[smem:$0x3FB3] =	sst s7  }
0x10: {  	[smem:$0x3FB4] =	sst s8  }
0x11: {  	[smem:$0x3FB5] =	sst s9;
	s0 =	simm.s32 @!p0 $0x0  }
0x12: {  	s1 =	sld [smem:$0x3F9B];
	s0 =	simm.s32 @p0 $0x1  }
0x13: {  	[smem:$0x3FB6] =	sst s0;
	s0 =	simm.s32 @!p1 $0x0  }
0x14: {  	s2 =	sld [smem:$0x3F9A];
	s0 =	simm.s32 @p1 $0x1  }
0x15: {  	[smem:$0x3FB7] =	sst s0;
	s0 =	simm.s32 @!p2 $0x0  }
0x16: {  	s3 =	sld [smem:$0x3FDB];
	s0 =	simm.s32 @p2 $0x1  }
0x17: {  	s4 =	simm.s32 $0x1BF5;
	[smem:$0x3FB9] =	sst s0  }
0x18: {  	s0 =	sld [smem:$0x3F9C];
	_ =	swait.ge [sflag:s4], $0x0  }
0x19: {  	s7 =	sld [smem:$0x3F9D]  }
0x1a: {  	s8 =	sadd.s32 $0xFFFFE003, lr  }
0x1b: {  	s9 =	sadd.s32 $0xFFFFFEF7, lr;
	s5 =	simm.s32 $0xFFFFFFFF;
	p2 =	slt.u32 s8, $0xFFFFF086  }
0x1c: {  	p1 =	slt.u32 s9, $0xF7A;
	s5 =	simm.s32 @!p2 $0x0  }
0x1d: {  	s5 =	simm.s32 @p1 $0x1;
	p0 =	seq.s32 s7, s2  }
0x1e: {  	s7 =	smul.u32 @!p0 $0xF7A, s2;
	p2 =	seq.s32 @!p0 s5, $0x0  }
0x1f: {  	s9 =	smul.u32 $0xF7A, s1;
	s8 =	simm.s32 @!p0 $0x1BF5;
	p2 =	por !p2, p0  }
0x20: {  	[sflag:s8] =	ssyncset.s32 @!p0 $0xFFFFF086;
	s6 =	sadd.s32 @!p0 s3, s7;
	s7 =	simm.s32 @!p0 $0x108  }
0x21: {  	s3 =	sadd.s32 s3, s9;
	s6 =	sadd.s32 @!p0 $0x88, s6;
	s7 =	simm.s32 @p2 $0x1082  }
0x22: {  	[simem:s7], [sflag:s8] =	dma.local @!p0 [hbm:s6], $0xF7A  }
0x23: {  	s9 =	sor.u32 $0xD0000000, s2;
	s6 =	simm.s32 $0x108;
	_ =	swait.ge @!p0 [sflag:s8], $0x0  }
0x24: {  	s3 =	sadd.s32 $0x88, s3;
	s6 =	simm.s32 @!p1 $0x1082;
	[sflag:s4] =	ssyncset.s32 $0xFFFFF086  }
0x25: {  	[simem:s6], [sflag:s4] =	dma.local [hbm:s3], $0xF7A  }
0x26: {  	[smem:$0x3F9D] =	sst s1;
	(tag) =	ssettag s2;
	_ =	strace s9  }
0x27: {  	s1 =	sld [smem:$0x3FAD]  }
0x28: {  	s2 =	sld [smem:$0x3FAE]  }
0x29: {  	s4 =	sld [smem:$0x3FB0]  }
0x2a: {  	p0 =	seq.s32 s5, $0x0;
	s5 =	sld [smem:$0x3FB1]  }
0x2b: {  	s6 =	sld [smem:$0x3FB2]  }
0x2c: {  	s7 =	sld [smem:$0x3FB3]  }
0x2d: {  	s3 =	simm.s32 $0x108;
	s8 =	sld [smem:$0x3FB4]  }
0x2e: {  	s3 =	simm.s32 @!p0 $0x1082;
	s9 =	sld [smem:$0x3FB5]  }
0x2f: {  	lr =	sadd.s32 s0, s3;
	s0 =	sld [smem:$0x3FAC]  }
0x30: {  	s3 =	sld [smem:$0x3FAF]  }
0x31: {  	[smem:$0x3FB8] =	sst s10  }
0x32: {  	s10 =	sld [smem:$0x3FB6];
	_ =	sdelay $0x3  }
0x33: {  	p0 =	seq.s32 s10, $0x1;
	s10 =	sld [smem:$0x3FB8];
	_ =	sdelay $0x3  }
0x34: {  	[smem:$0x3FB8] =	sst s10  }
0x35: {  	s10 =	sld [smem:$0x3FB7];
	_ =	sdelay $0x3  }
0x36: {  	p1 =	seq.s32 s10, $0x1;
	s10 =	sld [smem:$0x3FB8];
	_ =	sdelay $0x3  }
0x37: {  	[smem:$0x3FB8] =	sst s10  }
0x38: {  	s10 =	sld [smem:$0x3FB9]  }
0x39: {  	_ = 	snop;
	(pc) =	sbr.ind lr, $3  }
0x3a: {  	_ = 	snop  }
0x3b: {  	_ = 	snop  }
0x3c: {  	p2 =	seq.s32 s10, $0x1;
	s10 =	sld [smem:$0x3FB8]  }
0x3d: {  	_ =	shalt  }
0x3e: {  	_ =	shalt  }
0x3f: {  	_ =	shalt  }
0x40: {  	_ =	shalt  }
0x41: {  	_ =	shalt  }
0x42: {  	_ =	shalt  }
0x43: {  	_ =	shalt  }
0x44: {  	_ =	shalt  }
0x45: {  	_ =	shalt  }
0x46: {  	_ =	shalt  }
0x47: {  	_ =	shalt  }
0x48: {  	_ =	shalt  }
0x49: {  	_ =	shalt  }
0x4a: {  	_ =	shalt  }
0x4b: {  	_ =	shalt  }
0x4c: {  	_ =	shalt  }
0x4d: {  	_ =	shalt  }
0x4e: {  	_ =	shalt  }
0x4f: {  	_ =	shalt  }
0x50: {  	_ =	shalt  }
0x51: {  	_ =	shalt  }
0x52: {  	_ =	shalt  }
0x53: {  	_ =	shalt  }
0x54: {  	_ =	shalt  }
0x55: {  	_ =	shalt  }
0x56: {  	_ =	shalt  }
0x57: {  	_ =	shalt  }
0x58: {  	_ =	shalt  }
0x59: {  	_ =	shalt  }
0x5a: {  	_ =	shalt  }
0x5b: {  	_ =	shalt  }
0x5c: {  	_ =	shalt  }
0x5d: {  	_ =	shalt  }
0x5e: {  	_ =	shalt  }
0x5f: {  	_ =	shalt  }
0x60: {  	_ =	shalt  }
0x61: {  	_ =	shalt  }
0x62: {  	_ =	shalt  }
0x63: {  	_ =	shalt  }
0x64: {  	_ =	shalt  }
0x65: {  	_ =	shalt  }
0x66: {  	_ =	shalt  }
0x67: {  	_ =	shalt  }
0x68: {  	_ =	shalt  }
0x69: {  	_ =	shalt  }
0x6a: {  	_ =	shalt  }
0x6b: {  	_ =	shalt  }
0x6c: {  	_ =	shalt  }
0x6d: {  	_ =	shalt  }
0x6e: {  	_ =	shalt  }
0x6f: {  	_ =	shalt  }
0x70: {  	_ =	shalt  }
0x71: {  	_ =	shalt  }
0x72: {  	_ =	shalt  }
0x73: {  	_ =	shalt  }
0x74: {  	_ =	shalt  }
0x75: {  	_ =	shalt  }
0x76: {  	_ =	shalt  }
0x77: {  	_ =	shalt  }
0x78: {  	_ =	shalt  }
0x79: {  	_ =	shalt  }
0x7a: {  	_ =	shalt  }
0x7b: {  	_ =	shalt  }
0x7c: {  	_ =	shalt  }
0x7d: {  	_ =	shalt  }
0x7e: {  	_ =	shalt  }
0x7f: {  	_ =	shalt  }
0x80: {  	_ =	shalt  }
0x81: {  	_ =	shalt  }
0x82: {  	_ =	shalt  }
0x83: {  	_ =	shalt  }
0x84: {  	_ =	shalt  }
0x85: {  	_ =	shalt  }
0x86: {  	_ =	shalt  }
0x87: {  	_ =	shalt  }
.Lfunc_end0:
.L_simem_size_0:
called_computation_lowered:
.L_overlay_start_0:
0x88: {  	s2 =	sld [smem:$0x3FD9]  }
0x89: {  	s3 =	sld [smem:$0x3FFE];
	_ =	sdelay $0x1  }
0x8a: {  	s1 =	srdreg.scid  }
0x8b: {  	s0 =	sand.u32 $0x1, s1  }
0x8c: {  	s17 =	sshll.u32 s0, $0xA;
	s2 =	sadd.s32 s3, s2  }
0x8d: {  	s2 =	sadd.s32 s2, s17  }
0x8e: {  	[smem:$0x3FC4] =	sst s2  }
0x8f: {  	_ = 	snop  }
0x90: {  	s2 =	sld [smem:$0x3FD0];
	(tm) =	ssettm $0x1  }
0x91: {  	s18 =	sld [smem:$0x3FFB];
	_ =	sdelay $0x3  }
0x92: {  	_ =	strace s18  }
0x93: {  	s3 =	sld [smem:$0x3FFC];
	_ =	sdelay $0x3  }
0x94: {  	_ =	strace s3  }
0x95: {  	s3 =	sld [smem:$0x3FFD];
	_ =	sdelay $0x3  }
0x96: {  	_ =	strace s3  }
0x97: {  	_ =	strace $0x8FFFFFFF  }
0x98: {  	s19 =	sld [smem:$0x3FDB];
	_ =	sdelay $0x1  }
0x99: {  	s4 =	simm.s32 $_scs_section_size  }
0x9a: {  	s5 =	simm.s32 $_size__tile_overlayer_lowered;
	s6 =	simm.s32 $_tile_overlayer_lowered  }
0x9b: {  	s22 =	simm.s32 $0x1BFF;
	s21 =	sshll.u32 s6, $0x1;
	s3 =	sadd.s32 s4, s19  }
0x9c: {  	s7 =	simm.s32 $0x0;
	s20 =	sshll.u32 s5, $0x1;
	s5 =	sadd.s32 s21, s3  }
0x9d: {  	[timem:s7], [sflag:s22] =	dma.local [hbm:s5], s20  }
0x9e: {  	_ =	swait.ge [sflag:s22], s20  }
0x9f: {  	s4 =	ssub.s32 $0x0, s20;
	[sflag:s22] =	ssyncset.done $0x0  }
0xa0: {  	[sflag:s22] =	ssyncadd.s32 s4;
	_ =	sdelay $0x1  }
0xa1: {  	s23 =	simm.s32 $0x1B8B  }
0xa2: {  	_ =	swait.ge [sflag:s23], $0x1  }
0xa3: {  	[sflag:s23] =	ssyncset.done $0x0  }
0xa4: {  	s25 =	simm.s32 $0x1B8E;
	s24 =	sld [smem:$0x3FFE];
	[sflag:s23] =	ssyncadd.s32 $0xFFFFFFFF  }
0xa5: {  	s26 =	simm.s32 $execute0_lowered;
	[smem:$0x3FD2] =	sst s25  }
0xa6: {  	s5 =	sshll.u32 s26, $0x1;
	_ =	strace $0x80000046;
	[dreg:$0x1] =	wrdreg $0xFFFFFFFF  }
0xa7: {  	s28 =	simm.s32 $_size_execute0_lowered;
	s3 =	sadd.s32 s3, s5;
	[dreg:$0x0] =	wrdreg $0x0  }
0xa8: {  	s5 =	sshll.u32 s28, $0x1;
	[dreg:$0x2] =	wrdreg s3  }
0xa9: {  	[dreg:$0x3] =	wrdreg s5  }
0xaa: {  	[dreg:$0x4] =	wrdreg $0xC0  }
0xab: {  	_ =	task [dreg:s7], $0x5FFFF  }
0xac: {  	[dreg:$0x1] =	wrdreg $0xFFFFFFFF  }
0xad: {  	[dreg:$0x0] =	wrdreg $0x60  }
0xae: {  	[dreg:$0x2] =	wrdreg s2  }
0xaf: {  	[dreg:$0x3] =	wrdreg s24  }
0xb0: {  	[dreg:$0x4] =	wrdreg $0x0  }
0xb1: {  	[dreg:$0x5] =	wrdreg $0x138800  }
0xb2: {  	[dreg:$0x6] =	wrdreg $0x9  }
0xb3: {  	_ =	task.clear_ibuf [dreg:s7], $0x7FFFF;
	_ =	strace $0x90000046  }
0xb4: {  	s29 =	simm.s32 $0x9;
	_ =	strace $0x80000048  }
0xb5: {  	_ =	swait.ge [sflag:s29], $0x1  }
0xb6: {  	[sflag:s29] =	ssyncadd.s32 $0xFFFFFFFF  }
0xb7: {  	_ =	strace $0x90000048  }
0xb8: {  	_ =	sfence  }
0xb9: {  	s30 =	sld [smem:$0x0];
	_ =	sdelay $0x2  }
0xba: {  	s31 =	sshll.u32 s1, $0xD;
	s1 =	sshrl.u32 s1, $0x2  }
0xbb: {  	s3 =	sand.u32 $0x4000, s31;
	s1 =	sadd.s32 s1, s30  }
0xbc: {  	s0 =	sor.u32 s3, s0;
	s1 =	sshll.u32 s1, $0x11  }
0xbd: {  	s0 =	sor.u32 s1, s0  }
0xbe: {  	s0 =	sadd.s32 $0x8F2B, s0  }
0xbf: {  	[sflag:s0] =	ssyncadd.remote.s32 $0x1  }
0xc0: {  	_ =	sfence.sel $0xFFFF  }
0xc1: {  	[dreg:$0x0] =	wrdreg $0xFFFFFFFF;
	(pc) =	sbr.abs _section_cstart, $3  }
0xc2: {  	[dreg:$0x1] =	wrdreg $0xFFFFFFFF  }
0xc3: {  	_ =	task.clear_ibuf [dreg:s7], $0x2FFFF;
	_ =	strace $0x9FFFFFFF  }
0xc4: {  	(tm) =	ssettm $0x7FFFFFFF  }
0xc5: {  	_ =	shalt  }
tec
execute0_lowered:
.L_overlay_start_1:
0x0: {  	(tag) =	ssettag $0x1  }
0x1: {  	s0 =	rddreg [dreg:$0x0]  }
0x2: {  	s1 =	rddreg [dreg:$0x1];
	s16 =	stileid.u32  }
0x3: {  	s2 =	srdreg.scid;
	s8 =	smul.u32 $0x13880, s16  }
0x4: {  	s3 =	rddreg [dreg:$0x2];
	s9 =	smul.u32 $0x2710, s16  }
0x5: {  	s4 =	rddreg [dreg:$0x3];
	s12 =	smul.u32 $0x271, s16  }
0x6: {  	s5 =	simm.s32 $0x0;
	s2 =	sand.u32 $0x1, s2;
	s25 =	smul.u32 $0x4E200, s16  }
0x7: {  	s30 =	simm.s32 $0x17070;
	[smem:$0x7FF] =	sst s5;
	s6 =	smul.u32 $0x138800, s2  }
0x8: {  	s31 =	simm.s32 $0x4;
	s7 =	smul.u32 $0x27100, s2;
	_ =	strace $0x80000047  }
0x9: {  	s11 =	sshll.u32 s2, $0x4;
	s13 =	ssub.s32 $0x2, s2;
	s2 =	smul.u32 $0x2710, s2  }
0xa: {  	s21 =	sor.u32 s16, s11;
	s22 =	sshrl.u32 s13, $0x1;
	s14 =	sadd.s32 $0x230, s12  }
0xb: {  	s26 =	sshrl.u32 s25, $0x2;
	s17 =	sadd.s32 $0x140, s12;
	s16 =	smul.u32 $0x9C40, s16  }
0xc: {  	s6 =	sadd.s32 s8, s6;
	s7 =	sadd.s32 s9, s7;
	s11 =	ssub.s32 s13, s22  }
0xd: {  	s23 =	sshll.u32 s14, $0x7;
	s24 =	sshll.u32 s14, $0x4;
	s8 =	sadd.s32 s8, s3  }
0xe: {  	s18 =	sshll.u32 s17, $0x7;
	v1 =	vmov s2;
	s2 =	simm.s32 $0x19870;
	s10 =	sshrl.u32 s6, $0x3  }
0xf: {  	s6 =	sadd.s32 $0x1800, s1;
	s7 =	sshrl.u32 s7, $0x3;
	s13 =	sadd.s32 s23, s3  }
0x10: {  	s11 =	smax.u32 s11, $0x1;
	s23 =	sadd.s32 $0xA0, s12;
	s14 =	sadd.s32 s18, s3  }
0x11: {  	s20 =	sshrl.u32 s16, $0x2;
	s28 =	sshrl.u32 s8, $0x3;
	s8 =	simm.s32 $0x15F90  }
0x12: {  	s10 =	sadd.s32 s10, s1;
	s1 =	sadd.s32 s7, s1;
	[dreg:$0x5] =	wrdreg s13  }
0x13: {  	s7 =	smul.u32 $0x2710, s21;
	s13 =	sadd.s32 s24, s4;
	[dreg:$0x9] =	wrdreg s11  }
0x14: {  	s24 =	sadd.s32 $0xF0, s12;
	s25 =	sshll.u32 s23, $0x7;
	[dreg:$0xe] =	wrdreg s14  }
0x15: {  	s11 =	simm.s32 $0x16F80;
	[dreg:$0x6] =	wrdreg s13;
	s10 =	sadd.s32 $0x59800, s10  }
0x16: {  	s1 =	sadd.s32 $0x4FA00, s1;
	s13 =	sadd.s32 $0x50, s12;
	[dreg:$0x7] =	wrdreg s10  }
0x17: {  	[dreg:$0x8] =	wrdreg s1;
	s1 =	sadd.s32 s9, s4;
	s9 =	sadd.s32 s26, s3  }
0x18: {  	s22 =	sshll.u32 s13, $0x7;
	s26 =	sshll.u32 s24, $0x7;
	[dreg:$0xa] =	wrdreg s9  }
0x19: {  	s10 =	sadd.s32 s22, s3;
	s15 =	sadd.s32 s26, s3;
	s9 =	sshll.u32 s13, $0x4  }
0x1a: {  	s22 =	sshll.u32 s23, $0x4;
	s23 =	sshll.u32 s24, $0x4;
	s24 =	sshll.u32 s17, $0x4  }
0x1b: {  	s29 =	sshrl.u32 s1, $0x3;
	s1 =	simm.s32 $0x1C070;
	s13 =	simm.s32 $0x16FD0  }
0x1c: {  	s17 =	simm.s32 $0x0;
	[dreg:$0xb] =	wrdreg s10;
	s10 =	sadd.s32 s25, s3  }
0x1d: {  	[dreg:$0xd] =	wrdreg s15;
	s15 =	sadd.s32 $0x190, s12;
	s12 =	sadd.s32 $0x1E0, s12  }
0x1e: {  	s9 =	sadd.s32 s9, s4;
	s22 =	sadd.s32 s22, s4;
	s23 =	sadd.s32 s23, s4  }
0x1f: {  	s24 =	sadd.s32 s24, s4;
	[dreg:$0xc] =	wrdreg s10;
	s19 =	sshll.u32 s15, $0x7  }
0x20: {  	v0 =	vlaneseq.u32;
	s21 =	sshll.u32 s12, $0x7;
	[dreg:$0x12] =	wrdreg s9;
	s25 =	sshll.u32 s15, $0x4  }
0x21: {  	v0 =	vmul.u32 $0x2, v0;
	s26 =	sshll.u32 s12, $0x4;
	s9 =	simm.s32 $0x50;
	s10 =	simm.s32 $0x16F30  }
0x22: {  	v2 =	vimm.f32 $0.0e+00;
	v3 =	vimm.f32 $1.000000000e+00;
	s12 =	simm.s32 $0x1;
	s15 =	simm.s32 $0x2;
	s14 =	sadd.s32 s19, s3  }
0x23: {  	v4 =	vor.u32 $0x1, v0;
	v5 =	vor.u32 $0x20, v0;
	v6 =	vor.u32 $0x21, v0;
	s16 =	sadd.s32 s21, s3;
	s25 =	sadd.s32 s25, s4;
	[dreg:$0xf] =	wrdreg s14  }
0x24: {  	v7 =	vor.u32 $0x40, v0;
	v8 =	vor.u32 $0x41, v0;
	v9 =	vor.u32 $0x60, v0;
	s26 =	sadd.s32 s26, s4;
	[dreg:$0x10] =	wrdreg s16;
	s14 =	sadd.s32 s20, s4  }
0x25: {  	v10 =	vor.u32 $0x61, v0;
	v11 =	vor.u32 $0x80, v0;
	v12 =	vor.u32 $0x81, v0;
	s16 =	simm.s32 $0x17020;
	[dreg:$0x11] =	wrdreg s14;
	s14 =	simm.s32 $0x3  }
.LBB2_1:
0x26: {  	s18 =	simm.s32 $0x70;
	s19 =	simm.s32 $0x3C0  }
.LBB2_2:
0x27: {  	p0 =	sne.s32 s19, $0x9FC0;
	[tilespmem:s18+$0x17070] =	vst v2  }
0x28: {  	[tilespmem:s18+$0x17000] =	vst v2  }
0x29: {  	[tilespmem:s18+$0x17010] =	vst v2  }
.Ltmp0:
0x2a: {  	[tilespmem:s18+$0x17020] =	vst v2;
	(pc) =	sbr.rel @p0 .LBB2_2-.Ltmp0, $4  }
0x2b: {  	[tilespmem:s18+$0x17030] =	vst v2  }
0x2c: {  	[tilespmem:s18+$0x17040] =	vst v2  }
0x2d: {  	[tilespmem:s18+$0x17050] =	vst v2  }
0x2e: {  	[tilespmem:s18+$0x17060] =	vst v2;
	s18 =	sshra.s32 s19, $0x2;
	s19 =	sadd.s32 $0x200, s19  }
0x2f: {  	[tilespmem:s18+$0x17070] =	vst v2  }
0x30: {  	[tilespmem:s18+$0x17000] =	vst v2  }
0x31: {  	[tilespmem:s18+$0x17010] =	vst v2  }
0x32: {  	[tilespmem:s18+$0x17020] =	vst v2  }
0x33: {  	[tilespmem:s18+$0x17030] =	vst v2  }
0x34: {  	[tilespmem:s18+$0x17040] =	vst v2  }
0x35: {  	[tilespmem:s18+$0x17050] =	vst v2  }
0x36: {  	[tilespmem:s18+$0x17060] =	vst v2;
	s18 =	simm.s32 $0x70;
	s19 =	simm.s32 $0x3C0  }
.LBB2_4:
0x37: {  	p0 =	sne.s32 s19, $0x9FC0;
	[tilespmem:s18+$0x19870] =	vst v2  }
0x38: {  	[tilespmem:s18+$0x19800] =	vst v2  }
0x39: {  	[tilespmem:s18+$0x19810] =	vst v2  }
.Ltmp1:
0x3a: {  	[tilespmem:s18+$0x19820] =	vst v2;
	(pc) =	sbr.rel @p0 .LBB2_4-.Ltmp1, $4  }
0x3b: {  	[tilespmem:s18+$0x19830] =	vst v2  }
0x3c: {  	[tilespmem:s18+$0x19840] =	vst v2  }
0x3d: {  	[tilespmem:s18+$0x19850] =	vst v2  }
0x3e: {  	[tilespmem:s18+$0x19860] =	vst v2;
	s18 =	sshra.s32 s19, $0x2;
	s19 =	sadd.s32 $0x200, s19  }
0x3f: {  	[tilespmem:s18+$0x19870] =	vst v2  }
0x40: {  	[tilespmem:s18+$0x19800] =	vst v2  }
0x41: {  	[tilespmem:s18+$0x19810] =	vst v2  }
0x42: {  	[tilespmem:s18+$0x19820] =	vst v2  }
0x43: {  	[tilespmem:s18+$0x19830] =	vst v2  }
0x44: {  	[tilespmem:s18+$0x19840] =	vst v2  }
0x45: {  	[tilespmem:s18+$0x19850] =	vst v2  }
0x46: {  	[tilespmem:s18+$0x19860] =	vst v2;
	s18 =	simm.s32 $0x40;
	s19 =	simm.s32 $0x0  }
.LBB2_6:
0x47: {  	p0 =	sne.s32 s18, $0x13C0;
	[tilespmem:s19+$0x1C070] =	vst v2;
	s19 =	smov.u32 s18;
	s18 =	sadd.s32 $0x40, s18  }
.Ltmp2:
0x48: {  	(pc) =	sbr.rel @p0 .LBB2_6-.Ltmp2, $2  }
0x49: {  	_ =	sdelay $0x2  }
0x4a: {  	s19 =	sshra.s32 s19, $0x2  }
0x4b: {  	[tilespmem:s19+$0x1C070] =	vst v2;
	s18 =	rddreg [dreg:$0xa]  }
0x4c: {  	[spmem:s18] =	stream.linear.scatter [tilespmem:s30], [sflag:$0x4], $0x2800, $0x38;
	[tilespmem:$0x1C570] =	vst v63  }
0x4d: {  	_ =	swait.ge [sflag:s31], $0x2800  }
0x4e: {  	[sflag:s31] =	ssyncset.done $0x0  }
0x4f: {  	s21 =	rddreg [dreg:$0xb];
	[sflag:s31] =	ssyncadd.s32 $0xFFFFD800  }
0x50: {  	[spmem:s21] =	stream.linear.scatter [tilespmem:s30], [sflag:$0x4], $0x2800, $0x38;
	[tilespmem:$0x1C570] =	vst v63  }
0x51: {  	_ =	swait.ge [sflag:s31], $0x2800  }
0x52: {  	[sflag:s31] =	ssyncset.done $0x0  }
0x53: {  	s19 =	rddreg [dreg:$0xc];
	[sflag:s31] =	ssyncadd.s32 $0xFFFFD800  }
0x54: {  	[spmem:s19] =	stream.linear.scatter [tilespmem:s30], [sflag:$0x4], $0x2800, $0x38;
	[tilespmem:$0x1C570] =	vst v63  }
0x55: {  	_ =	swait.ge [sflag:s31], $0x2800  }
0x56: {  	[sflag:s31] =	ssyncset.done $0x0  }
0x57: {  	s20 =	rddreg [dreg:$0xd];
	[sflag:s31] =	ssyncadd.s32 $0xFFFFD800  }
0x58: {  	[spmem:s20] =	stream.linear.scatter [tilespmem:s30], [sflag:$0x4], $0x2800, $0x38;
	[tilespmem:$0x1C570] =	vst v63  }
0x59: {  	_ =	swait.ge [sflag:s31], $0x2800  }
0x5a: {  	[sflag:s31] =	ssyncset.done $0x0  }
0x5b: {  	s21 =	rddreg [dreg:$0xe];
	[sflag:s31] =	ssyncadd.s32 $0xFFFFD800  }
0x5c: {  	[spmem:s21] =	stream.linear.scatter [tilespmem:s30], [sflag:$0x4], $0x2800, $0x38;
	[tilespmem:$0x1C570] =	vst v63  }
0x5d: {  	_ =	swait.ge [sflag:s31], $0x2800  }
0x5e: {  	[sflag:s31] =	ssyncset.done $0x0  }
0x5f: {  	s19 =	rddreg [dreg:$0xf];
	[sflag:s31] =	ssyncadd.s32 $0xFFFFD800  }
0x60: {  	[spmem:s19] =	stream.linear.scatter [tilespmem:s30], [sflag:$0x4], $0x2800, $0x38;
	[tilespmem:$0x1C570] =	vst v63  }
0x61: {  	_ =	swait.ge [sflag:s31], $0x2800  }
0x62: {  	[sflag:s31] =	ssyncset.done $0x0  }
0x63: {  	s20 =	rddreg [dreg:$0x10];
	[sflag:s31] =	ssyncadd.s32 $0xFFFFD800  }
0x64: {  	[spmem:s20] =	stream.linear.scatter [tilespmem:s30], [sflag:$0x4], $0x2800, $0x38;
	[tilespmem:$0x1C570] =	vst v63  }
0x65: {  	_ =	swait.ge [sflag:s31], $0x2800  }
0x66: {  	[sflag:s31] =	ssyncset.done $0x0  }
0x67: {  	s21 =	rddreg [dreg:$0x5];
	[sflag:s31] =	ssyncadd.s32 $0xFFFFD800  }
0x68: {  	[spmem:s21] =	stream.linear.scatter [tilespmem:s2], [sflag:$0x4], $0x2080, $0x38;
	[tilespmem:$0x1C570] =	vst v63  }
0x69: {  	_ =	swait.ge [sflag:s31], $0x2080  }
0x6a: {  	[sflag:s31] =	ssyncset.done $0x0  }
0x6b: {  	s19 =	rddreg [dreg:$0x11];
	[sflag:s31] =	ssyncadd.s32 $0xFFFFDF80  }
0x6c: {  	[spmem:s19] =	stream.linear.scatter [tilespmem:s1], [sflag:$0x4], $0x500, $0x38;
	[tilespmem:$0x1C570] =	vst v63  }
0x6d: {  	_ =	swait.ge [sflag:s31], $0x500  }
0x6e: {  	[sflag:s31] =	ssyncset.done $0x0  }
0x6f: {  	s20 =	rddreg [dreg:$0x12];
	[sflag:s31] =	ssyncadd.s32 $0xFFFFFB00  }
0x70: {  	[spmem:s20] =	stream.linear.scatter [tilespmem:s1], [sflag:$0x4], $0x500, $0x38;
	[tilespmem:$0x1C570] =	vst v63  }
0x71: {  	_ =	swait.ge [sflag:s31], $0x500  }
0x72: {  	[sflag:s31] =	ssyncset.done $0x0  }
0x73: {  	[sflag:s31] =	ssyncadd.s32 $0xFFFFFB00  }
0x74: {  	[spmem:s22] =	stream.linear.scatter [tilespmem:s1], [sflag:$0x4], $0x500, $0x38;
	[tilespmem:$0x1C570] =	vst v63  }
0x75: {  	_ =	swait.ge [sflag:s31], $0x500  }
0x76: {  	[sflag:s31] =	ssyncset.done $0x0  }
0x77: {  	[sflag:s31] =	ssyncadd.s32 $0xFFFFFB00  }
0x78: {  	[spmem:s23] =	stream.linear.scatter [tilespmem:s1], [sflag:$0x4], $0x500, $0x38;
	[tilespmem:$0x1C570] =	vst v63  }
0x79: {  	_ =	swait.ge [sflag:s31], $0x500  }
0x7a: {  	[sflag:s31] =	ssyncset.done $0x0  }
0x7b: {  	[sflag:s31] =	ssyncadd.s32 $0xFFFFFB00  }
0x7c: {  	[spmem:s24] =	stream.linear.scatter [tilespmem:s1], [sflag:$0x4], $0x500, $0x38;
	[tilespmem:$0x1C570] =	vst v63  }
0x7d: {  	_ =	swait.ge [sflag:s31], $0x500  }
0x7e: {  	[sflag:s31] =	ssyncset.done $0x0  }
0x7f: {  	[sflag:s31] =	ssyncadd.s32 $0xFFFFFB00  }
0x80: {  	[spmem:s25] =	stream.linear.scatter [tilespmem:s1], [sflag:$0x4], $0x500, $0x38;
	[tilespmem:$0x1C570] =	vst v63  }
0x81: {  	_ =	swait.ge [sflag:s31], $0x500  }
0x82: {  	[sflag:s31] =	ssyncset.done $0x0  }
0x83: {  	[sflag:s31] =	ssyncadd.s32 $0xFFFFFB00  }
0x84: {  	[spmem:s26] =	stream.linear.scatter [tilespmem:s1], [sflag:$0x4], $0x500, $0x38;
	[tilespmem:$0x1C570] =	vst v63  }
0x85: {  	_ =	swait.ge [sflag:s31], $0x500  }
0x86: {  	[sflag:s31] =	ssyncset.done $0x0  }
0x87: {  	s21 =	rddreg [dreg:$0x6];
	[sflag:s31] =	ssyncadd.s32 $0xFFFFFB00  }
0x88: {  	[spmem:s21] =	stream.linear.scatter [tilespmem:s1], [sflag:$0x4], $0x410, $0x38;
	[tilespmem:$0x1C570] =	vst v63  }
0x89: {  	_ =	swait.ge [sflag:s31], $0x410  }
0x8a: {  	[sflag:s31] =	ssyncset.done $0x0  }
0x8b: {  	s18 =	simm.s32 $0x40;
	s19 =	simm.s32 $0x0;
	[sflag:s31] =	ssyncadd.s32 $0xFFFFFBF0  }
.LBB2_8:
0x8c: {  	p0 =	sne.s32 s18, $0x13C0;
	[tilespmem:s19+$0x1C070] =	vst v3;
	s19 =	smov.u32 s18;
	s18 =	sadd.s32 $0x40, s18  }
.Ltmp3:
0x8d: {  	(pc) =	sbr.rel @p0 .LBB2_8-.Ltmp3, $2  }
0x8e: {  	_ =	sdelay $0x2  }
0x8f: {  	s19 =	sshra.s32 s19, $0x2  }
0x90: {  	[tilespmem:s19+$0x1C070] =	vst v3  }
0x91: {  	s18 =	simm.s32 $0x0;
	[bflag:$0x0] =	sbarrier.arrive $0xFFFF  }
.LBB2_10:
0x92: {  	s19 =	smul.u32 $0x7D0, s18;
	_ =	sdelay $0x1  }
0x93: {  	s19 =	sadd.s32 s7, s19  }
0x94: {  	s19 =	sshrl.u32 s19, $0x2  }
0x95: {  	s19 =	sadd.s32 s0, s19  }
0x96: {  	[tilespmem:s8], [sflag:$0x4] =	stream.linear.gather [hbm4b:s19+s5], $0xFA0, $0x38;
	[tilespmem:$0x1C570] =	vst v63  }
0x97: {  	_ =	swait.ge [sflag:s31], $0xFA0  }
0x98: {  	[sflag:s31] =	ssyncset.done $0x0  }
0x99: {  	[sflag:s31] =	ssyncadd.s32 $0xFFFFF060  }
0x9a: {  	v13 =	vld.idx.msk [tilespmem:v0+s8+$0x0], $0xffff  }
0x9b: {  	v14 =	vld.idx.msk [tilespmem:v4+s8+$0x0], $0xffff;
	_ =	sdelay $0x4  }
0x9c: {  	v13 =	vadd.s32 v1, v13;
	[tilespmem:$0x16FD0] =	vst v14  }
0x9d: {  	[tilespmem:$0x16F30] =	vst v13  }
0x9e: {  	v13 =	vld.idx.msk [tilespmem:v5+s8+$0x0], $0xffff  }
0x9f: {  	v14 =	vld.idx.msk [tilespmem:v6+s8+$0x0], $0xffff;
	_ =	sdelay $0x4  }
0xa0: {  	v13 =	vadd.s32 v1, v13;
	[tilespmem:$0x16FE0] =	vst v14  }
0xa1: {  	[tilespmem:$0x16F40] =	vst v13  }
0xa2: {  	v13 =	vld.idx.msk [tilespmem:v7+s8+$0x0], $0xffff  }
0xa3: {  	v14 =	vld.idx.msk [tilespmem:v8+s8+$0x0], $0xffff;
	_ =	sdelay $0x4  }
0xa4: {  	v13 =	vadd.s32 v1, v13;
	[tilespmem:$0x16FF0] =	vst v14  }
0xa5: {  	[tilespmem:$0x16F50] =	vst v13  }
0xa6: {  	v13 =	vld.idx.msk [tilespmem:v9+s8+$0x0], $0xffff  }
0xa7: {  	v14 =	vld.idx.msk [tilespmem:v10+s8+$0x0], $0xffff;
	_ =	sdelay $0x4  }
0xa8: {  	v13 =	vadd.s32 v1, v13;
	[tilespmem:$0x17000] =	vst v14  }
0xa9: {  	[tilespmem:$0x16F60] =	vst v13  }
0xaa: {  	v13 =	vld.idx.msk [tilespmem:v11+s8+$0x0], $0xffff  }
0xab: {  	s20 =	simm.s32 $0x50  }
0xac: {  	v15 =	vmov s20;
	v14 =	vld.idx.msk [tilespmem:v12+s8+$0x0], $0xffff  }
0xad: {  	v15 =	vshll.u32 v15, $0x1  }
0xae: {  	v15 =	vor.u32 v0, v15  }
0xaf: {  	v13 =	vadd.s32 v1, v13  }
0xb0: {  	[tilespmem:$0x16F70] =	vst v13;
	v13 =	vor.u32 $0x1, v15  }
0xb1: {  	[tilespmem:$0x17010] =	vst v14  }
0xb2: {  	[tilespmem:s30], [sflag:$0x1] =	stream.indirect.gather [hbm4b:s6+s9], $0x80, s10, s9, $0xb8;
	[tilespmem:$0x1C570] =	vst v63  }
0xb3: {  	s21 =	simm.s32 $0x60;
	v14 =	vld.idx.msk [tilespmem:v15+s8+$0x0], $0xffff  }
0xb4: {  	v15 =	vmov s21  }
0xb5: {  	v15 =	vshll.u32 v15, $0x1;
	v13 =	vld.idx.msk [tilespmem:v13+s8+$0x0], $0xffff  }
0xb6: {  	v15 =	vor.u32 v0, v15  }
0xb7: {  	v16 =	vor.u32 $0x1, v15  }
0xb8: {  	v14 =	vadd.s32 v1, v14  }
0xb9: {  	[tilespmem:$0x16F80] =	vst v14  }
0xba: {  	[tilespmem:$0x17020] =	vst v13  }
0xbb: {  	s20 =	simm.s32 $0x70;
	v13 =	vld.idx.msk [tilespmem:v15+s8+$0x0], $0xffff  }
0xbc: {  	v14 =	vmov s20;
	v15 =	vld.idx.msk [tilespmem:v16+s8+$0x0], $0xffff  }
0xbd: {  	v14 =	vshll.u32 v14, $0x1  }
0xbe: {  	v14 =	vor.u32 v0, v14  }
0xbf: {  	v57 =	vor.u32 $0x1, v14;
	_ =	sdelay $0x1  }
0xc0: {  	v13 =	vadd.s32 v1, v13;
	[tilespmem:$0x17030] =	vst v15  }
0xc1: {  	[tilespmem:$0x16F90] =	vst v13  }
0xc2: {  	s21 =	simm.s32 $0x80;
	v13 =	vld.idx.msk [tilespmem:v14+s8+$0x0], $0xffff  }
0xc3: {  	v14 =	vmov s21;
	v15 =	vld.idx.msk [tilespmem:v57+s8+$0x0], $0xffff  }
0xc4: {  	v14 =	vshll.u32 v14, $0x1  }
0xc5: {  	v14 =	vor.u32 v0, v14;
	_ =	sdelay $0x1  }
0xc6: {  	v58 =	vor.u32 $0x1, v14  }
0xc7: {  	v13 =	vadd.s32 v1, v13;
	[tilespmem:$0x17040] =	vst v15  }
0xc8: {  	[tilespmem:$0x16FA0] =	vst v13  }
0xc9: {  	s20 =	simm.s32 $0x90;
	v13 =	vld.idx.msk [tilespmem:v14+s8+$0x0], $0xffff  }
0xca: {  	v14 =	vmov s20  }
0xcb: {  	v15 =	vld.idx.msk [tilespmem:v58+s8+$0x0], $0xffff;
	v14 =	vshll.u32 v14, $0x1  }
0xcc: {  	v14 =	vor.u32 v0, v14;
	_ =	sdelay $0x1  }
0xcd: {  	v59 =	vor.u32 $0x1, v14;
	v13 =	vadd.s32 v1, v13  }
0xce: {  	[tilespmem:$0x16FB0] =	vst v13  }
0xcf: {  	[tilespmem:$0x17050] =	vst v15  }
0xd0: {  	v13 =	vld.idx.msk [tilespmem:v14+s8+$0x0], $0xffff;
	_ =	sdelay $0x1  }
0xd1: {  	v14 =	vld.idx.msk [tilespmem:v59+s8+$0x0], $0xffff;
	_ =	sdelay $0x2  }
0xd2: {  	v13 =	vadd.s32 v1, v13  }
0xd3: {  	[tilespmem:$0x16FC0] =	vst v13  }
0xd4: {  	[tilespmem:$0x17060] =	vst v14  }
0xd5: {  	[tilespmem:s2], [sflag:$0x2] =	stream.indirect.gather [hbm4b:s6+s9], $0x80, s11, s9, $0xb8;
	[tilespmem:$0x1C570] =	vst v63  }
0xd6: {  	_ =	swait.ge [sflag:s12], $0x2800  }
0xd7: {  	[sflag:s12] =	ssyncset.done $0x0  }
0xd8: {  	[sflag:s12] =	ssyncadd.s32 $0xFFFFD800  }
0xd9: {  	[spmem:s4] =	stream.indirect.scatter.add.f32 [tilespmem:s1], [sflag:$0x3], $0x10, s13, s9, $0xb8;
	[tilespmem:$0x1C570] =	vst v63  }
0xda: {  	s21 =	simm.s32 $0xA0  }
0xdb: {  	v13 =	vmov s21;
	[spmem:s3] =	stream.indirect.scatter.add.f32 [tilespmem:s30], [sflag:$0x4], $0x80, s13, s9, $0xb8;
	[tilespmem:$0x1C570] =	vst v63  }
0xdc: {  	v13 =	vshll.u32 v13, $0x1;
	_ =	swait.ge [sflag:s31], $0x2800  }
0xdd: {  	v13 =	vor.u32 v0, v13;
	[sflag:s31] =	ssyncset.done $0x0  }
0xde: {  	v14 =	vor.u32 $0x1, v13;
	[sflag:s31] =	ssyncadd.s32 $0xFFFFD800  }
0xdf: {  	_ =	swait.ge [sflag:s14], $0x500  }
0xe0: {  	[sflag:s14] =	ssyncset.done $0x0  }
0xe1: {  	[sflag:s14] =	ssyncadd.s32 $0xFFFFFB00  }
0xe2: {  	s20 =	simm.s32 $0xB0;
	v13 =	vld.idx.msk [tilespmem:v13+s8+$0x0], $0xffff  }
0xe3: {  	v15 =	vmov s20;
	v14 =	vld.idx.msk [tilespmem:v14+s8+$0x0], $0xffff  }
0xe4: {  	v15 =	vshll.u32 v15, $0x1  }
0xe5: {  	v15 =	vor.u32 v0, v15  }
0xe6: {  	v60 =	vor.u32 $0x1, v15;
	_ =	sdelay $0x1  }
0xe7: {  	v13 =	vadd.s32 v1, v13;
	[tilespmem:$0x16FD0] =	vst v14  }
0xe8: {  	[tilespmem:$0x16F30] =	vst v13  }
0xe9: {  	s21 =	simm.s32 $0xC0;
	v13 =	vld.idx.msk [tilespmem:v15+s8+$0x0], $0xffff  }
0xea: {  	v14 =	vmov s21;
	v15 =	vld.idx.msk [tilespmem:v60+s8+$0x0], $0xffff  }
0xeb: {  	v14 =	vshll.u32 v14, $0x1  }
0xec: {  	v14 =	vor.u32 v0, v14  }
0xed: {  	v61 =	vor.u32 $0x1, v14;
	_ =	sdelay $0x1  }
0xee: {  	v13 =	vadd.s32 v1, v13;
	[tilespmem:$0x16FE0] =	vst v15  }
0xef: {  	[tilespmem:$0x16F40] =	vst v13  }
0xf0: {  	s20 =	simm.s32 $0xD0;
	v13 =	vld.idx.msk [tilespmem:v14+s8+$0x0], $0xffff  }
0xf1: {  	v14 =	vmov s20;
	v15 =	vld.idx.msk [tilespmem:v61+s8+$0x0], $0xffff  }
0xf2: {  	v14 =	vshll.u32 v14, $0x1  }
0xf3: {  	v14 =	vor.u32 v0, v14;
	_ =	sdelay $0x1  }
0xf4: {  	v62 =	vor.u32 $0x1, v14  }
0xf5: {  	v13 =	vadd.s32 v1, v13;
	[tilespmem:$0x16FF0] =	vst v15  }
0xf6: {  	[tilespmem:$0x16F50] =	vst v13  }
0xf7: {  	s21 =	simm.s32 $0xE0;
	v13 =	vld.idx.msk [tilespmem:v14+s8+$0x0], $0xffff  }
0xf8: {  	v14 =	vmov s21  }
0xf9: {  	v15 =	vld.idx.msk [tilespmem:v62+s8+$0x0], $0xffff;
	v14 =	vshll.u32 v14, $0x1  }
0xfa: {  	v14 =	vor.u32 v0, v14;
	_ =	sdelay $0x1  }
0xfb: {  	v63 =	vor.u32 $0x1, v14;
	v13 =	vadd.s32 v1, v13  }
0xfc: {  	[tilespmem:$0x16F60] =	vst v13  }
0xfd: {  	[tilespmem:$0x17000] =	vst v15  }
0xfe: {  	v13 =	vld.idx.msk [tilespmem:v14+s8+$0x0], $0xffff;
	_ =	sdelay $0x1  }
0xff: {  	v14 =	vld.idx.msk [tilespmem:v63+s8+$0x0], $0xffff;
	_ =	sdelay $0x2  }
0x100: {  	v13 =	vadd.s32 v1, v13  }
0x101: {  	[tilespmem:$0x16F70] =	vst v13  }
0x102: {  	[tilespmem:$0x17010] =	vst v14  }
0x103: {  	[tilespmem:s30], [sflag:$0x1] =	stream.indirect.gather [hbm4b:s6+s9], $0x80, s10, s9, $0xb8;
	[tilespmem:$0x1C570] =	vst v63  }
0x104: {  	s19 =	simm.s32 $0x180;
	_ =	swait.ge [sflag:s15], $0x2800  }
.LBB2_11:
0x105: {  	p0 =	sne.s32 s19, $0x7C0  }
0x106: {  	[sflag:s15] =	ssyncset.done $0x0;
	s20 =	smov.u32 s19;
	s19 =	sadd.s32 $0xA0, s19  }
0x107: {  	[sflag:s15] =	ssyncadd.s32 $0xFFFFD800  }
0x108: {  	[spmem:s4] =	stream.indirect.scatter.add.f32 [tilespmem:s1], [sflag:$0x3], $0x10, s16, s9, $0xb8;
	[tilespmem:$0x1C570] =	vst v63  }
0x109: {  	s21 =	sadd.s32 $0xFFFFFF70, s20  }
0x10a: {  	v13 =	vmov s21;
	[spmem:s3] =	stream.indirect.scatter.add.f32 [tilespmem:s2], [sflag:$0x4], $0x80, s16, s9, $0xb8;
	[tilespmem:$0x1C570] =	vst v63  }
0x10b: {  	v13 =	vshll.u32 v13, $0x1;
	_ =	swait.ge [sflag:s31], $0x2800  }
0x10c: {  	v13 =	vor.u32 v0, v13;
	[sflag:s31] =	ssyncset.done $0x0  }
0x10d: {  	v14 =	vor.u32 $0x1, v13;
	[sflag:s31] =	ssyncadd.s32 $0xFFFFD800  }
0x10e: {  	_ =	swait.ge [sflag:s14], $0x500  }
0x10f: {  	[sflag:s14] =	ssyncset.done $0x0  }
0x110: {  	[sflag:s14] =	ssyncadd.s32 $0xFFFFFB00  }
0x111: {  	v13 =	vld.idx.msk [tilespmem:v13+s8+$0x0], $0xffff  }
0x112: {  	s21 =	sadd.s32 $0xFFFFFF80, s20;
	v14 =	vld.idx.msk [tilespmem:v14+s8+$0x0], $0xffff  }
0x113: {  	v15 =	vmov s21  }
0x114: {  	v15 =	vshll.u32 v15, $0x1  }
0x115: {  	v15 =	vor.u32 v0, v15  }
0x116: {  	v16 =	vor.u32 $0x1, v15  }
0x117: {  	v13 =	vadd.s32 v1, v13  }
0x118: {  	[tilespmem:$0x16F80] =	vst v13  }
0x119: {  	[tilespmem:$0x17020] =	vst v14  }
0x11a: {  	v13 =	vld.idx.msk [tilespmem:v15+s8+$0x0], $0xffff  }
0x11b: {  	s21 =	sadd.s32 $0xFFFFFF90, s20;
	v14 =	vld.idx.msk [tilespmem:v16+s8+$0x0], $0xffff  }
0x11c: {  	v15 =	vmov s21  }
0x11d: {  	v15 =	vshll.u32 v15, $0x1  }
0x11e: {  	v15 =	vor.u32 v0, v15  }
0x11f: {  	v16 =	vor.u32 $0x1, v15  }
0x120: {  	v13 =	vadd.s32 v1, v13  }
0x121: {  	[tilespmem:$0x16F90] =	vst v13  }
0x122: {  	[tilespmem:$0x17030] =	vst v14  }
0x123: {  	v13 =	vld.idx.msk [tilespmem:v15+s8+$0x0], $0xffff  }
0x124: {  	s21 =	sadd.s32 $0xFFFFFFA0, s20;
	v14 =	vld.idx.msk [tilespmem:v16+s8+$0x0], $0xffff  }
0x125: {  	v15 =	vmov s21  }
0x126: {  	v15 =	vshll.u32 v15, $0x1  }
0x127: {  	v15 =	vor.u32 v0, v15  }
0x128: {  	v16 =	vor.u32 $0x1, v15  }
0x129: {  	v13 =	vadd.s32 v1, v13  }
0x12a: {  	[tilespmem:$0x16FA0] =	vst v13  }
0x12b: {  	[tilespmem:$0x17040] =	vst v14  }
0x12c: {  	v13 =	vld.idx.msk [tilespmem:v15+s8+$0x0], $0xffff  }
0x12d: {  	s21 =	sadd.s32 $0xFFFFFFB0, s20;
	v14 =	vld.idx.msk [tilespmem:v16+s8+$0x0], $0xffff  }
0x12e: {  	v15 =	vmov s21  }
0x12f: {  	v15 =	vshll.u32 v15, $0x1  }
0x130: {  	v15 =	vor.u32 v0, v15  }
0x131: {  	v16 =	vor.u32 $0x1, v15  }
0x132: {  	v13 =	vadd.s32 v1, v13  }
0x133: {  	[tilespmem:$0x16FB0] =	vst v13  }
0x134: {  	[tilespmem:$0x17050] =	vst v14  }
0x135: {  	v13 =	vld.idx.msk [tilespmem:v15+s8+$0x0], $0xffff  }
0x136: {  	v14 =	vld.idx.msk [tilespmem:v16+s8+$0x0], $0xffff;
	_ =	sdelay $0x4  }
0x137: {  	v13 =	vadd.s32 v1, v13  }
0x138: {  	[tilespmem:$0x16FC0] =	vst v13  }
0x139: {  	[tilespmem:$0x17060] =	vst v14  }
0x13a: {  	[tilespmem:s2], [sflag:$0x2] =	stream.indirect.gather [hbm4b:s6+s9], $0x80, s11, s9, $0xb8;
	[tilespmem:$0x1C570] =	vst v63  }
0x13b: {  	_ =	swait.ge [sflag:s12], $0x2800  }
0x13c: {  	[sflag:s12] =	ssyncset.done $0x0  }
0x13d: {  	[sflag:s12] =	ssyncadd.s32 $0xFFFFD800  }
0x13e: {  	[spmem:s4] =	stream.indirect.scatter.add.f32 [tilespmem:s1], [sflag:$0x3], $0x10, s13, s9, $0xb8;
	[tilespmem:$0x1C570] =	vst v63  }
0x13f: {  	s21 =	sadd.s32 $0xFFFFFFC0, s20  }
0x140: {  	v13 =	vmov s21;
	[spmem:s3] =	stream.indirect.scatter.add.f32 [tilespmem:s30], [sflag:$0x4], $0x80, s13, s9, $0xb8;
	[tilespmem:$0x1C570] =	vst v63  }
0x141: {  	v13 =	vshll.u32 v13, $0x1;
	_ =	swait.ge [sflag:s31], $0x2800  }
0x142: {  	v13 =	vor.u32 v0, v13;
	[sflag:s31] =	ssyncset.done $0x0  }
0x143: {  	v14 =	vor.u32 $0x1, v13;
	[sflag:s31] =	ssyncadd.s32 $0xFFFFD800  }
0x144: {  	_ =	swait.ge [sflag:s14], $0x500  }
0x145: {  	[sflag:s14] =	ssyncset.done $0x0  }
0x146: {  	[sflag:s14] =	ssyncadd.s32 $0xFFFFFB00  }
0x147: {  	v13 =	vld.idx.msk [tilespmem:v13+s8+$0x0], $0xffff  }
0x148: {  	s21 =	sadd.s32 $0xFFFFFFD0, s20;
	v14 =	vld.idx.msk [tilespmem:v14+s8+$0x0], $0xffff  }
0x149: {  	v15 =	vmov s21  }
0x14a: {  	v15 =	vshll.u32 v15, $0x1  }
0x14b: {  	v15 =	vor.u32 v0, v15  }
0x14c: {  	v16 =	vor.u32 $0x1, v15  }
0x14d: {  	v13 =	vadd.s32 v1, v13  }
0x14e: {  	[tilespmem:$0x16F30] =	vst v13  }
0x14f: {  	[tilespmem:$0x16FD0] =	vst v14  }
0x150: {  	v13 =	vld.idx.msk [tilespmem:v15+s8+$0x0], $0xffff  }
0x151: {  	s21 =	sadd.s32 $0xFFFFFFE0, s20;
	v14 =	vld.idx.msk [tilespmem:v16+s8+$0x0], $0xffff  }
0x152: {  	v15 =	vmov s21  }
0x153: {  	v15 =	vshll.u32 v15, $0x1  }
0x154: {  	v15 =	vor.u32 v0, v15  }
0x155: {  	v16 =	vor.u32 $0x1, v15  }
0x156: {  	v13 =	vadd.s32 v1, v13  }
0x157: {  	[tilespmem:$0x16F40] =	vst v13  }
0x158: {  	[tilespmem:$0x16FE0] =	vst v14  }
0x159: {  	v13 =	vld.idx.msk [tilespmem:v15+s8+$0x0], $0xffff  }
0x15a: {  	s21 =	sadd.s32 $0xFFFFFFF0, s20;
	v14 =	vld.idx.msk [tilespmem:v16+s8+$0x0], $0xffff  }
0x15b: {  	v15 =	vmov s21  }
0x15c: {  	v15 =	vshll.u32 v15, $0x1  }
0x15d: {  	v15 =	vor.u32 v0, v15  }
0x15e: {  	v16 =	vor.u32 $0x1, v15  }
0x15f: {  	v13 =	vadd.s32 v1, v13  }
0x160: {  	[tilespmem:$0x16F50] =	vst v13  }
0x161: {  	[tilespmem:$0x16FF0] =	vst v14  }
0x162: {  	v13 =	vld.idx.msk [tilespmem:v15+s8+$0x0], $0xffff  }
0x163: {  	v14 =	vld.idx.msk [tilespmem:v16+s8+$0x0], $0xffff  }
0x164: {  	v15 =	vmov s20  }
0x165: {  	v15 =	vshll.u32 v15, $0x1  }
0x166: {  	v15 =	vor.u32 v0, v15  }
0x167: {  	v16 =	vor.u32 $0x1, v15  }
0x168: {  	v13 =	vadd.s32 v1, v13  }
0x169: {  	[tilespmem:$0x16F60] =	vst v13  }
0x16a: {  	[tilespmem:$0x17000] =	vst v14  }
0x16b: {  	v13 =	vld.idx.msk [tilespmem:v15+s8+$0x0], $0xffff  }
0x16c: {  	v14 =	vld.idx.msk [tilespmem:v16+s8+$0x0], $0xffff;
	_ =	sdelay $0x4  }
.Ltmp4:
0x16d: {  	v13 =	vadd.s32 v1, v13;
	(pc) =	sbr.rel @p0 .LBB2_11-.Ltmp4, $4  }
0x16e: {  	[tilespmem:$0x16F70] =	vst v13  }
0x16f: {  	[tilespmem:$0x17010] =	vst v14  }
0x170: {  	[tilespmem:s30], [sflag:$0x1] =	stream.indirect.gather [hbm4b:s6+s9], $0x80, s10, s9, $0xb8;
	[tilespmem:$0x1C570] =	vst v63  }
0x171: {  	_ =	swait.ge [sflag:s15], $0x2800  }
0x172: {  	[sflag:s15] =	ssyncset.done $0x0  }
0x173: {  	[sflag:s15] =	ssyncadd.s32 $0xFFFFD800  }
0x174: {  	[spmem:s4] =	stream.indirect.scatter.add.f32 [tilespmem:s1], [sflag:$0x3], $0x10, s16, s9, $0xb8;
	[tilespmem:$0x1C570] =	vst v63  }
0x175: {  	_ = 	snop  }
0x176: {  	[spmem:s3] =	stream.indirect.scatter.add.f32 [tilespmem:s2], [sflag:$0x4], $0x80, s16, s9, $0xb8;
	[tilespmem:$0x1C570] =	vst v63  }
0x177: {  	_ =	swait.ge [sflag:s31], $0x2800  }
0x178: {  	[sflag:s31] =	ssyncset.done $0x0  }
0x179: {  	[sflag:s31] =	ssyncadd.s32 $0xFFFFD800  }
0x17a: {  	_ =	swait.ge [sflag:s14], $0x500  }
0x17b: {  	[sflag:s14] =	ssyncset.done $0x0  }
0x17c: {  	[sflag:s14] =	ssyncadd.s32 $0xFFFFFB00  }
0x17d: {  	_ =	swait.ge [sflag:s12], $0x2800  }
0x17e: {  	[sflag:s12] =	ssyncset.done $0x0  }
0x17f: {  	[sflag:s12] =	ssyncadd.s32 $0xFFFFD800  }
0x180: {  	[spmem:s4] =	stream.indirect.scatter.add.f32 [tilespmem:s1], [sflag:$0x3], $0x10, s13, s9, $0xb8;
	[tilespmem:$0x1C570] =	vst v63  }
0x181: {  	s18 =	sadd.s32 $0x1, s18  }
0x182: {  	[spmem:s3] =	stream.indirect.scatter.add.f32 [tilespmem:s30], [sflag:$0x4], $0x80, s13, s9, $0xb8;
	[tilespmem:$0x1C570] =	vst v63  }
0x183: {  	p0 =	sne.s32 s18, $0x5;
	_ =	swait.ge [sflag:s31], $0x2800  }
.Ltmp5:
0x184: {  	[sflag:s31] =	ssyncset.done $0x0;
	(pc) =	sbr.rel @p0 .LBB2_10-.Ltmp5, $4  }
0x185: {  	[sflag:s31] =	ssyncadd.s32 $0xFFFFD800  }
0x186: {  	_ =	swait.ge [sflag:s14], $0x500  }
0x187: {  	[sflag:s14] =	ssyncset.done $0x0  }
0x188: {  	[sflag:s14] =	ssyncadd.s32 $0xFFFFFB00  }
0x189: {  	s18 =	stileid.u32  }
0x18a: {  	[bflag:$0x0] =	sbarrier.arrive $0xFFFF;
	s18 =	sshll.u32 s18, $0x6  }
0x18b: {  	s19 =	rddreg [dreg:$0x7];
	s18 =	sor.u32 $0x1C04, s18  }
0x18c: {  	[hbm:s19], [sflag:s18] =	dma.local [spmem:s28], $0x2710  }
0x18d: {  	_ =	swait.ge [sflag:s31], $0x2710  }
0x18e: {  	[sflag:s31] =	ssyncset.done $0x0  }
0x18f: {  	s20 =	rddreg [dreg:$0x8];
	[sflag:s31] =	ssyncadd.s32 $0xFFFFD8F0  }
0x190: {  	[hbm:s20], [sflag:s18] =	dma.local [spmem:s29], $0x4E2  }
0x191: {  	_ =	swait.ge [sflag:s31], $0x4E2  }
0x192: {  	s17 =	sadd.s32 $0x1, s17;
	s21 =	rddreg [dreg:$0x9]  }
0x193: {  	p0 =	sne.s32 s17, s21  }
.Ltmp6:
0x194: {  	_ = 	snop;
	(pc) =	sbr.rel @p0 .LBB2_1-.Ltmp6, $3  }
0x195: {  	_ =	sdelay $0x1  }
0x196: {  	[sflag:s31] =	ssyncset.done $0x0  }
0x197: {  	[sflag:s31] =	ssyncadd.s32 $0xFFFFFB1E  }
0x198: {  	_ =	sfence.sel $0x180000  }
0x199: {  	[bflag:$0x0] =	sbarrier.arrive $0xFFFF  }
0x19a: {  	_ =	strace $0x90000047  }
0x19b: {  	s0 =	stileid.u32;
	[bflag:$0x2] =	sbarrier.arrive $0xFFFF  }
0x19c: {  	p0 =	sne.s32 s0, $0x0;
	s0 =	rddreg [dreg:$0x4]  }
0x19d: {  	s0 =	sadd.s32 @!p0 $0x100000, s0  }
0x19e: {  	[sflag:s0] =	ssyncadd.tile.s32 @!p0 $0x1;
	_ =	shalt  }
.Lfunc_end2:
_tile_overlayer_lowered:
.L_overlay_start_2:
0x19f: {  	(tag) =	ssettag $0x2  }
0x1a0: {  	s0 =	rddreg [dreg:$0x0];
	s2 =	stileid.u32  }
0x1a1: {  	s1 =	rddreg [dreg:$0x1];
	p0 =	sne.s32 s2, $0x0  }
0x1a2: {  	s3 =	rddreg [dreg:$0x2];
	[bflag:$0x3] =	sbarrier.arrive $0xFFFF;
	s2 =	simm.s32 @!p0 $0x1C04  }
0x1a3: {  	[timem:s3], [sflag:s2] =	dma.local @!p0 [hbm:s0], s1  }
0x1a4: {  	s0 =	simm.s32 @!p0 $0x4  }
0x1a5: {  	_ =	swait.ge @!p0 [sflag:s0], s1  }
0x1a6: {  	s1 =	ssub.s32 @!p0 $0x0, s1;
	[sflag:s0] =	ssyncset.done @!p0 $0x0  }
0x1a7: {  	[sflag:s0] =	ssyncadd.s32 @!p0 s1  }
0x1a8: {  	[bflag:$0x3] =	sbarrier.arrive $0xFFFF  }
0x1a9: {  	_ =	shalt  }

</sc_bundles>
